<compile_context>
chip_gen: v7x
topology: tpu7x:2x2x1
jax: 0.10.2.dev20260603
libtpu: 0.0.44.dev20260713+nightly
codegen_flags: <defaults>
</compile_context>

<pallas_src>
import functools

import jax
import jax.numpy as jnp
from jax import lax
from jax.experimental import pallas as pl
from jax.experimental.pallas import tpu as pltpu
from jax.experimental.pallas import tpu_sc as plsc

_RATIOS = (0.5, 1.0, 2.0)
_SCALES = (8, 16, 32)
_IMAGE_SIZE = 1920
_NMS_PRE = 3000
_NMS_POST = 300
_THRESHOLD = 0.5
_NEG = -1e30
_LANES = 128

_SC_SUBCORES = 16

_COMPACT = 3328
_N_ROWS = 1024
_ROWS_PER_SUB = _N_ROWS // _SC_SUBCORES


def _make_anchors(feat_stride, size):
    ratios = jnp.asarray(_RATIOS, jnp.float32)
    scales = jnp.asarray(_SCALES, jnp.float32)
    base = feat_stride * scales
    ws = (base[None, :] * jnp.sqrt(1.0 / ratios)[:, None]).reshape(-1)
    hs = (base[None, :] * jnp.sqrt(ratios)[:, None]).reshape(-1)
    ctr = (jnp.arange(size, dtype=jnp.float32) + 0.5) * feat_stride
    cy = ctr[:, None, None]
    cx = ctr[None, :, None]
    x1, y1, x2, y2 = jnp.broadcast_arrays(
        cx - ws / 2, cy - hs / 2, cx + ws / 2, cy + hs / 2)
    return jnp.stack([x1, y1, x2, y2], axis=-1)


def _scramble(arr, K, H, W):
    lead = arr.shape[:-4]
    a = arr.reshape(lead + (K, 4, H, W))
    perm = tuple(range(len(lead))) + tuple(
        len(lead) + p for p in (2, 3, 0, 1))
    return jnp.transpose(a, perm).reshape(lead + (H * W * K, 4))


def _decode_select_body(k_top, trash,
                        s_ref, dx1, dy1, dx2, dy2, ax1, ay1, ax2, ay2,
                        os_ref, ox1, oy1, ox2, oy2, od_ref):
    hi = jnp.float32(_IMAGE_SIZE)
    ox1[0] = jnp.clip(dx1[0] + ax1[...], 0.0, hi)
    oy1[0] = jnp.clip(dy1[0] + ay1[...], 0.0, hi)
    ox2[0] = jnp.clip(dx2[0] + ax2[...], 0.0, hi)
    oy2[0] = jnp.clip(dy2[0] + ay2[...], 0.0, hi)

    s = s_ref[0]
    u = lax.bitcast_convert_type(s, jnp.int32)
    m = u ^ (jnp.right_shift(u, 31) & jnp.int32(0x7FFFFFFF))

    def count_ge(t):
        return jnp.sum((m >= t).astype(jnp.int32))

    p0 = jnp.where(count_ge(jnp.int32(0)) >= k_top,
                   jnp.int32(0), jnp.int32(-2**31))

    def bit_step(i, p):
        b = jnp.int32(30) - i
        t = p + jnp.left_shift(jnp.int32(1), b)
        return jnp.where(count_ge(t) >= k_top, t, p)

    t_key = lax.fori_loop(0, 31, bit_step, p0)

    c_gt = jnp.sum((m > t_key).astype(jnp.int32))
    need = jnp.int32(k_top) - c_gt
    eq = m == t_key
    fidx = (lax.broadcasted_iota(jnp.int32, m.shape, 0) * _LANES
            + lax.broadcasted_iota(jnp.int32, m.shape, 1))

    def idx_step(i, r):
        b = jnp.int32(17) - i
        t = r + jnp.left_shift(jnp.int32(1), b)
        cl = jnp.sum((eq & (fidx < t)).astype(jnp.int32))
        return jnp.where(cl < need, t, r)

    e = lax.fori_loop(0, 18, idx_step, jnp.int32(0))
    sel = (m > t_key) | (eq & (fidx <= e))
    os_ref[0] = jnp.where(sel, s, jnp.float32(_NEG))

    self32 = sel.astype(jnp.float32)
    slt = (lax.broadcasted_iota(jnp.int32, (_LANES, _LANES), 0)
           < lax.broadcasted_iota(jnp.int32, (_LANES, _LANES), 1)
           ).astype(jnp.float32)
    excl_in_row = jnp.dot(self32, slt,
                          preferred_element_type=jnp.float32)
    row_tot = jnp.sum(self32, axis=1, keepdims=True)
    row_lt = (lax.broadcasted_iota(jnp.int32, (_N_ROWS, _N_ROWS), 1)
              < lax.broadcasted_iota(jnp.int32, (_N_ROWS, _N_ROWS), 0)
              ).astype(jnp.float32)
    row_excl = jnp.dot(row_lt, row_tot,
                       preferred_element_type=jnp.float32)
    rank = (excl_in_row + row_excl).astype(jnp.int32)

    img = pl.program_id(0)
    dst = jnp.where(sel, img * _COMPACT + rank,
                    jnp.int32(trash) + (fidx & 7))
    od_ref[0] = dst


def _sc_scatter_body(s_in, x1_in, y1_in, x2_in, y2_in, d_in,
                     out_s, out_x1, out_y1, out_x2, out_y2,
                     vb_s, vb_x1, vb_y1, vb_x2, vb_y2, vb_d,
                     fillbuf, sems):
    img = lax.axis_index("c")
    sid = lax.axis_index("s")
    chunk = _ROWS_PER_SUB * _LANES
    base_in = pl.multiple_of((img * _SC_SUBCORES + sid) * chunk, 8)

    vbufs = (vb_s, vb_x1, vb_y1, vb_x2, vb_y2)
    outs = (out_s, out_x1, out_y1, out_x2, out_y2)

    for src, vb in zip((s_in, x1_in, y1_in, x2_in, y2_in), vbufs):
        pltpu.sync_copy(src.at[pl.ds(base_in, chunk)], vb)
    pltpu.sync_copy(d_in.at[pl.ds(base_in, chunk)], vb_d)

    copies = [
        pltpu.async_copy(vb, out.at[vb_d], sem)
        for (vb, out, sem) in zip(vbufs, outs, sems)
    ]
    for c in copies:
        c.wait()

    tail = _COMPACT - _NMS_PRE

    @pl.when(sid == 0)
    def _():
        for t in range(tail // 16):
            fillbuf[pl.ds(t * 16, 16)] = jnp.full(
                (16,), _NEG, jnp.float32)
        tbase = pl.multiple_of(img * _COMPACT + _NMS_PRE, 8)
        pltpu.sync_copy(fillbuf.at[pl.ds(0, tail)],
                        out_s.at[pl.ds(tbase, tail)])
        for t in range(tail // 16):
            fillbuf[pl.ds(t * 16, 16)] = jnp.zeros((16,), jnp.float32)
        for out in outs[1:]:
            pltpu.sync_copy(fillbuf.at[pl.ds(0, tail)],
                            out.at[pl.ds(tbase, tail)])


def _nms_body(n_post, s_ref, x1_ref, y1_ref, x2_ref, y2_ref,
              out_ref, areas, snms):
    snms[...] = s_ref[0]
    areas[...] = (x2_ref[0] - x1_ref[0]) * (y2_ref[0] - y1_ref[0])
    fidx = (lax.broadcasted_iota(jnp.int32, snms.shape, 0) * _LANES
            + lax.broadcasted_iota(jnp.int32, snms.shape, 1))
    li = lax.broadcasted_iota(jnp.int32, (1, _LANES), 1)

    def nms_step(t, carry):
        sarr = snms[...]
        mval = jnp.max(sarr)
        fi = jnp.min(jnp.where(sarr == mval, fidx, jnp.int32(2**30)))
        valid = mval > jnp.float32(_NEG)
        row = fi // _LANES
        lane = fi % _LANES

        def pick(ref):
            rowv = ref[0, pl.ds(row, 1), :]
            return jnp.sum(jnp.where(li == lane, rowv, 0.0))

        bx1 = pick(x1_ref)
        by1 = pick(y1_ref)
        bx2 = pick(x2_ref)
        by2 = pick(y2_ref)
        rowa = areas[pl.ds(row, 1), :]
        ba = jnp.sum(jnp.where(li == lane, rowa, 0.0))

        xx1 = jnp.maximum(x1_ref[0], bx1)
        yy1 = jnp.maximum(y1_ref[0], by1)
        xx2 = jnp.minimum(x2_ref[0], bx2)
        yy2 = jnp.minimum(y2_ref[0], by2)
        inter = (jnp.maximum(xx2 - xx1, 0.0) * jnp.maximum(yy2 - yy1, 0.0))
        iou = inter / (areas[...] + ba - inter + jnp.float32(1e-9))
        kill = (iou > jnp.float32(_THRESHOLD)) | (fidx == fi)
        snms[...] = jnp.where(kill, jnp.float32(_NEG), sarr)

        z = jnp.float32(0.0)
        kx1 = jnp.where(valid, bx1, z)
        ky1 = jnp.where(valid, by1, z)
        kx2 = jnp.where(valid, bx2, z)
        ky2 = jnp.where(valid, by2, z)
        ks = jnp.where(valid, mval, z)
        vals = jnp.where(
            li == 0, kx1,
            jnp.where(li == 1, ky1,
                      jnp.where(li == 2, kx2,
                                jnp.where(li == 3, ky2,
                                          jnp.where(li == 4, ks, z)))))
        out_ref[0, pl.ds(t, 1), :] = vals
        return carry

    lax.fori_loop(0, n_post, nms_step, jnp.int32(0))


def kernel(cls_scores, bbox_deltas, device):
    N, C, H, W = cls_scores.shape
    K = C
    A = C * H * W
    feat_stride = round(_IMAGE_SIZE / float(W))

    anchors = _make_anchors(feat_stride, W)
    anchors_flat = _scramble(anchors, K, H, W)

    deltas = jnp.transpose(bbox_deltas, (0, 2, 3, 1)).reshape(N, H, W, K, 4)
    deltas_flat = _scramble(deltas, K, H, W)

    scores_flat = cls_scores.reshape(N, A)

    tot = _N_ROWS * _LANES
    pad = tot - A
    trash = N * _COMPACT

    s_pad = jnp.concatenate(
        [scores_flat, jnp.full((N, pad), -jnp.inf, jnp.float32)],
        axis=1).reshape(N, _N_ROWS, _LANES)

    def pad_plane(x):
        lead = x.shape[:-1]
        z = jnp.zeros(lead + (pad,), jnp.float32)
        return jnp.concatenate([x, z], axis=-1).reshape(
            lead + (_N_ROWS, _LANES))

    d_planes = [pad_plane(deltas_flat[..., c]) for c in range(4)]
    a_planes = [pad_plane(anchors_flat[..., c]) for c in range(4)]

    img_spec = pl.BlockSpec((1, _N_ROWS, _LANES), lambda i: (i, 0, 0))
    const_spec = pl.BlockSpec((_N_ROWS, _LANES), lambda i: (0, 0))
    plane_sds = jax.ShapeDtypeStruct((N, _N_ROWS, _LANES), jnp.float32)
    idx_sds = jax.ShapeDtypeStruct((N, _N_ROWS, _LANES), jnp.int32)

    sel_body = functools.partial(_decode_select_body, _NMS_PRE, trash)
    sm, px1, py1, px2, py2, pdst = pl.pallas_call(
        sel_body,
        grid=(N,),
        in_specs=[img_spec] + [img_spec] * 4 + [const_spec] * 4,
        out_specs=[img_spec] * 6,
        out_shape=[plane_sds] * 5 + [idx_sds],
        compiler_params=pltpu.CompilerParams(
            dimension_semantics=("parallel",)),
    )(s_pad, *d_planes, *a_planes)

    mesh = plsc.VectorSubcoreMesh(core_axis_name="c", subcore_axis_name="s")
    sc_out = jax.ShapeDtypeStruct((N * _COMPACT + 8,), jnp.float32)
    r2 = (N * _N_ROWS * _LANES,)
    sc_fn = pl.kernel(
        _sc_scatter_body,
        mesh=mesh,
        out_type=[sc_out] * 5,
        scratch_types=(
            [pltpu.VMEM((_ROWS_PER_SUB * _LANES,), jnp.float32)] * 5
            + [pltpu.VMEM((_ROWS_PER_SUB * _LANES,), jnp.int32),
               pltpu.VMEM((_COMPACT - _NMS_PRE,), jnp.float32),
               [pltpu.SemaphoreType.DMA] * 5]),
    )
    cs, cx1, cy1, cx2, cy2 = sc_fn(
        sm.reshape(r2), px1.reshape(r2), py1.reshape(r2),
        px2.reshape(r2), py2.reshape(r2), pdst.reshape(r2))

    c_rows = _COMPACT // _LANES
    cshape = (N, c_rows, _LANES)
    cimg_spec = pl.BlockSpec((1, c_rows, _LANES), lambda i: (i, 0, 0))

    def crop(x):
        return x[:N * _COMPACT].reshape(cshape)

    out_rows = _NMS_POST + (-_NMS_POST) % 8
    out = pl.pallas_call(
        functools.partial(_nms_body, _NMS_POST),
        grid=(N,),
        in_specs=[cimg_spec] * 5,
        out_specs=pl.BlockSpec((1, out_rows, _LANES), lambda i: (i, 0, 0)),
        out_shape=jax.ShapeDtypeStruct((N, out_rows, _LANES), jnp.float32),
        scratch_shapes=[pltpu.VMEM((c_rows, _LANES), jnp.float32)
                        for _ in range(2)],
        compiler_params=pltpu.CompilerParams(
            dimension_semantics=("parallel",)),
    )(crop(cs), crop(cx1), crop(cy1), crop(cx2), crop(cy2))

    boxes = out[:, :_NMS_POST, 0:4]
    last_scores = out[N - 1, :_NMS_POST, 4]
    scores_col = jnp.broadcast_to(last_scores[None, :], (N, _NMS_POST))
    return jnp.concatenate([scores_col[..., None], boxes], axis=-1)

# --- scband reference (transcript-rebuilt; emitter-appended) ---
"""Pipeline reference for scband-proposal-layer-9552007266637 (READ-ONLY COPY).

The authoritative reference and input builder live on the scoring server;
editing this copy changes nothing except your own understanding.
"""

import jax, jax.numpy as jnp
import numpy as np
from jax import lax

RATIOS = [0.5, 1.0, 2.0]
SCALES = [8, 16, 32]
IMAGE_SIZE = 1920
NMS_PRE = 3000
NMS_POST = 300
THRESHOLD = 0.5


def generate_anchors(feat_stride, size, ratios, scales):
    ratios = jnp.asarray(ratios, jnp.float32)
    scales = jnp.asarray(scales, jnp.float32)
    base = feat_stride * scales
    ws = (base[None, :] * jnp.sqrt(1.0 / ratios)[:, None]).reshape(-1)
    hs = (base[None, :] * jnp.sqrt(ratios)[:, None]).reshape(-1)
    ctr = (jnp.arange(size, dtype=jnp.float32) + 0.5) * feat_stride
    cy = ctr[:, None, None]
    cx = ctr[None, :, None]
    x1, y1, x2, y2 = jnp.broadcast_arrays(cx - ws / 2, cy - hs / 2, cx + ws / 2, cy + hs / 2)
    return jnp.stack([x1, y1, x2, y2], axis=-1)  # [H, W, K, 4]


def cross_boundary(boxes, image_size):
    # remove=False -> clip boxes to image bounds
    return jnp.clip(boxes, 0.0, float(image_size))


def nms_keep(boxes, scores, thresh, n_steps):
    boxes = lax.stop_gradient(boxes)
    scores = lax.stop_gradient(scores)
    x1, y1, x2, y2 = boxes[:, 0], boxes[:, 1], boxes[:, 2], boxes[:, 3]
    areas = (x2 - x1) * (y2 - y1)
    neg = jnp.float32(-1e30)

    def step(s, _):
        idx = jnp.argmax(s)
        valid = s[idx] > neg
        bx = boxes[idx]
        xx1 = jnp.maximum(x1, bx[0])
        yy1 = jnp.maximum(y1, bx[1])
        xx2 = jnp.minimum(x2, bx[2])
        yy2 = jnp.minimum(y2, bx[3])
        inter = jnp.maximum(xx2 - xx1, 0.0) * jnp.maximum(yy2 - yy1, 0.0)
        iou = inter / (areas + areas[idx] - inter + 1e-9)
        s2 = jnp.where(iou > thresh, neg, s)
        s2 = s2.at[idx].set(neg)
        return s2, (idx, valid)

    _, (idxs, valids) = lax.scan(step, scores, None, length=n_steps)
    return idxs, valids


def _forward(cls_scores, bbox_deltas):
    N, C, H, W = cls_scores.shape
    feat_stride = round(IMAGE_SIZE / float(W))
    anchors = generate_anchors(feat_stride, W, RATIOS, SCALES)  # [H, W, K, 4]
    cls = jnp.transpose(cls_scores, (0, 2, 3, 1))  # [N, H, W, K]
    deltas = jnp.transpose(bbox_deltas, (0, 2, 3, 1)).reshape(N, H, W, -1, 4)
    regions = anchors[None, ...] + deltas  # [N, H, W, K, 4]
    cls_flat = jnp.transpose(cls, (0, 3, 1, 2)).reshape(N, -1)
    K = deltas.shape[3]
    # faithful replication of torch .view(N,-1,4,H,W).permute(0,3,4,1,2).reshape(N,-1,4)
    regions = jnp.transpose(regions.reshape(N, K, 4, H, W), (0, 3, 4, 1, 2)).reshape(N, -1, 4)
    regions = cross_boundary(regions, IMAGE_SIZE)
    pre_nms = min(NMS_PRE, cls_flat.shape[1])
    _, sort_order = lax.top_k(cls_flat, pre_nms)  # [N, pre_nms]
    batch_idx = jnp.arange(N)[:, None]
    scores_top = cls_flat[batch_idx, sort_order]  # [N, pre_nms]
    regions_top = regions[batch_idx, sort_order]  # [N, pre_nms, 4]
    out_boxes = []
    last_scores = None
    for i in range(N):
        idxs, valids = nms_keep(regions_top[i], scores_top[i], THRESHOLD, NMS_POST)
        kb = jnp.where(valids[:, None], regions_top[i][idxs], 0.0)
        ks = jnp.where(valids, scores_top[i][idxs], 0.0)
        out_boxes.append(kb)
        last_scores = ks
    boxes = jnp.stack(out_boxes, axis=0)  # [N, NMS_POST, 4]
    # replicate original indexing bug: output[:, :, 0] overwritten each iter -> last batch's scores
    scores_col = jnp.broadcast_to(last_scores[None, :], (N, NMS_POST))
    output = jnp.concatenate([scores_col[..., None], boxes], axis=-1)  # [N, NMS_POST, 5]
    return output


def setup_inputs(seed: int = 0):
    key = jax.random.key(seed)
    k1, k2 = jax.random.split(key)
    cls_scores = jax.random.normal(k1, (2, 9, 120, 120), dtype=jnp.float32)
    bbox_deltas = jax.random.normal(k2, (2, 36, 120, 120), dtype=jnp.float32) * 8.0
    return {"cls_scores": cls_scores, "bbox_deltas": bbox_deltas, "device": 0}


def reference(cls_scores, bbox_deltas, device):
    return _forward(cls_scores, bbox_deltas)

if __name__ == "__main__":
    import jax
    _d = setup_inputs()
    print(jax.jit(kernel)(*tuple(_d.values())))

</pallas_src>

<mosaic_0001>
#map = affine_map<(d0, d1) -> (0)>
module attributes {stable_mosaic.version = 14 : i64} {
  func.func @_sc_scatter_body(%arg0: i32, %arg1: i32, %arg2: memref<262144xf32, #tpu.memory_space<hbm>>, %arg3: memref<262144xf32, #tpu.memory_space<hbm>>, %arg4: memref<262144xf32, #tpu.memory_space<hbm>>, %arg5: memref<262144xf32, #tpu.memory_space<hbm>>, %arg6: memref<262144xf32, #tpu.memory_space<hbm>>, %arg7: memref<262144xi32, #tpu.memory_space<hbm>>, %arg8: memref<6664xf32, #tpu.memory_space<hbm>>, %arg9: memref<6664xf32, #tpu.memory_space<hbm>>, %arg10: memref<6664xf32, #tpu.memory_space<hbm>>, %arg11: memref<6664xf32, #tpu.memory_space<hbm>>, %arg12: memref<6664xf32, #tpu.memory_space<hbm>>, %arg13: memref<8192xf32, #tpu.memory_space<vmem>>, %arg14: memref<8192xf32, #tpu.memory_space<vmem>>, %arg15: memref<8192xf32, #tpu.memory_space<vmem>>, %arg16: memref<8192xf32, #tpu.memory_space<vmem>>, %arg17: memref<8192xf32, #tpu.memory_space<vmem>>, %arg18: memref<8192xi32, #tpu.memory_space<vmem>>, %arg19: memref<328xf32, #tpu.memory_space<vmem>>, %arg20: memref<!tpu.dma_semaphore, #tpu.memory_space<semaphore_mem>>, %arg21: memref<!tpu.dma_semaphore, #tpu.memory_space<semaphore_mem>>, %arg22: memref<!tpu.dma_semaphore, #tpu.memory_space<semaphore_mem>>, %arg23: memref<!tpu.dma_semaphore, #tpu.memory_space<semaphore_mem>>, %arg24: memref<!tpu.dma_semaphore, #tpu.memory_space<semaphore_mem>>) attributes {dimension_semantics = [#tpu.dimension_semantics<core_parallel>, #tpu.dimension_semantics<subcore_parallel>], iteration_bounds = array<i64: 2, 16>, scalar_prefetch = 0 : i64, scratch_operands = 12 : i64, tpu.core_type = #tpu.core_type<sc_vector_subcore>, window_params = [{transform_indices = #map}, {transform_indices = #map}, {transform_indices = #map}, {transform_indices = #map}, {transform_indices = #map}, {transform_indices = #map}, {transform_indices = #map}, {transform_indices = #map}, {transform_indices = #map}, {transform_indices = #map}, {transform_indices = #map}]} {
    %mul3A = arith.constant 16 : i32
    %mul3A_0 = arith.muli %arg0, %mul3A : i32
    %add3A = arith.addi %mul3A_0, %arg1 : i32
    %mul3A_1 = arith.constant 8192 : i32
    %mul3A_2 = arith.muli %add3A, %mul3A_1 : i32
    %multiple_of3A = tpu.assume_multiple %mul3A_2, 8 : i32
    "tpu.region"() ({
      %run_scoped3A = tpu.sem_alloc : memref<!tpu.dma_semaphore, #tpu.memory_space<semaphore_mem>>
      %dma_start3A_23 = tpu.memref_slice %arg2[%multiple_of3A] : memref<262144xf32, #tpu.memory_space<hbm>> -> memref<8192xf32, #tpu.memory_space<hbm>>
      %dma_start3A_24 = tpu.memref_slice %arg2[%multiple_of3A] : memref<262144xf32, #tpu.memory_space<hbm>> -> memref<8192xf32, #tpu.memory_space<hbm>>
      tpu.enqueue_dma source(%dma_start3A_24 : memref<8192xf32, #tpu.memory_space<hbm>>) target(%arg13 : memref<8192xf32, #tpu.memory_space<vmem>>) target_semaphore(%run_scoped3A : memref<!tpu.dma_semaphore, #tpu.memory_space<semaphore_mem>>)
      %dma_wait3A_25 = tpu.memref_slice %arg2[%multiple_of3A] : memref<262144xf32, #tpu.memory_space<hbm>> -> memref<8192xf32, #tpu.memory_space<hbm>>
      %dma_wait3A_26 = tpu.memref_slice %arg2[%multiple_of3A] : memref<262144xf32, #tpu.memory_space<hbm>> -> memref<8192xf32, #tpu.memory_space<hbm>>
      tpu.wait_dma2 semaphore(%run_scoped3A : memref<!tpu.dma_semaphore, #tpu.memory_space<semaphore_mem>>) src(%dma_wait3A_26 : memref<8192xf32, #tpu.memory_space<hbm>>) dst(%arg13 : memref<8192xf32, #tpu.memory_space<vmem>>)
      tpu.yield
    }) : () -> ()
    "tpu.region"() ({
      %run_scoped3A = tpu.sem_alloc : memref<!tpu.dma_semaphore, #tpu.memory_space<semaphore_mem>>
      %dma_start3A_23 = tpu.memref_slice %arg3[%multiple_of3A] : memref<262144xf32, #tpu.memory_space<hbm>> -> memref<8192xf32, #tpu.memory_space<hbm>>
      %dma_start3A_24 = tpu.memref_slice %arg3[%multiple_of3A] : memref<262144xf32, #tpu.memory_space<hbm>> -> memref<8192xf32, #tpu.memory_space<hbm>>
      tpu.enqueue_dma source(%dma_start3A_24 : memref<8192xf32, #tpu.memory_space<hbm>>) target(%arg14 : memref<8192xf32, #tpu.memory_space<vmem>>) target_semaphore(%run_scoped3A : memref<!tpu.dma_semaphore, #tpu.memory_space<semaphore_mem>>)
      %dma_wait3A_25 = tpu.memref_slice %arg3[%multiple_of3A] : memref<262144xf32, #tpu.memory_space<hbm>> -> memref<8192xf32, #tpu.memory_space<hbm>>
      %dma_wait3A_26 = tpu.memref_slice %arg3[%multiple_of3A] : memref<262144xf32, #tpu.memory_space<hbm>> -> memref<8192xf32, #tpu.memory_space<hbm>>
      tpu.wait_dma2 semaphore(%run_scoped3A : memref<!tpu.dma_semaphore, #tpu.memory_space<semaphore_mem>>) src(%dma_wait3A_26 : memref<8192xf32, #tpu.memory_space<hbm>>) dst(%arg14 : memref<8192xf32, #tpu.memory_space<vmem>>)
      tpu.yield
    }) : () -> ()
    "tpu.region"() ({
      %run_scoped3A = tpu.sem_alloc : memref<!tpu.dma_semaphore, #tpu.memory_space<semaphore_mem>>
      %dma_start3A_23 = tpu.memref_slice %arg4[%multiple_of3A] : memref<262144xf32, #tpu.memory_space<hbm>> -> memref<8192xf32, #tpu.memory_space<hbm>>
      %dma_start3A_24 = tpu.memref_slice %arg4[%multiple_of3A] : memref<262144xf32, #tpu.memory_space<hbm>> -> memref<8192xf32, #tpu.memory_space<hbm>>
      tpu.enqueue_dma source(%dma_start3A_24 : memref<8192xf32, #tpu.memory_space<hbm>>) target(%arg15 : memref<8192xf32, #tpu.memory_space<vmem>>) target_semaphore(%run_scoped3A : memref<!tpu.dma_semaphore, #tpu.memory_space<semaphore_mem>>)
      %dma_wait3A_25 = tpu.memref_slice %arg4[%multiple_of3A] : memref<262144xf32, #tpu.memory_space<hbm>> -> memref<8192xf32, #tpu.memory_space<hbm>>
      %dma_wait3A_26 = tpu.memref_slice %arg4[%multiple_of3A] : memref<262144xf32, #tpu.memory_space<hbm>> -> memref<8192xf32, #tpu.memory_space<hbm>>
      tpu.wait_dma2 semaphore(%run_scoped3A : memref<!tpu.dma_semaphore, #tpu.memory_space<semaphore_mem>>) src(%dma_wait3A_26 : memref<8192xf32, #tpu.memory_space<hbm>>) dst(%arg15 : memref<8192xf32, #tpu.memory_space<vmem>>)
      tpu.yield
    }) : () -> ()
    "tpu.region"() ({
      %run_scoped3A = tpu.sem_alloc : memref<!tpu.dma_semaphore, #tpu.memory_space<semaphore_mem>>
      %dma_start3A_23 = tpu.memref_slice %arg5[%multiple_of3A] : memref<262144xf32, #tpu.memory_space<hbm>> -> memref<8192xf32, #tpu.memory_space<hbm>>
      %dma_start3A_24 = tpu.memref_slice %arg5[%multiple_of3A] : memref<262144xf32, #tpu.memory_space<hbm>> -> memref<8192xf32, #tpu.memory_space<hbm>>
      tpu.enqueue_dma source(%dma_start3A_24 : memref<8192xf32, #tpu.memory_space<hbm>>) target(%arg16 : memref<8192xf32, #tpu.memory_space<vmem>>) target_semaphore(%run_scoped3A : memref<!tpu.dma_semaphore, #tpu.memory_space<semaphore_mem>>)
      %dma_wait3A_25 = tpu.memref_slice %arg5[%multiple_of3A] : memref<262144xf32, #tpu.memory_space<hbm>> -> memref<8192xf32, #tpu.memory_space<hbm>>
      %dma_wait3A_26 = tpu.memref_slice %arg5[%multiple_of3A] : memref<262144xf32, #tpu.memory_space<hbm>> -> memref<8192xf32, #tpu.memory_space<hbm>>
      tpu.wait_dma2 semaphore(%run_scoped3A : memref<!tpu.dma_semaphore, #tpu.memory_space<semaphore_mem>>) src(%dma_wait3A_26 : memref<8192xf32, #tpu.memory_space<hbm>>) dst(%arg16 : memref<8192xf32, #tpu.memory_space<vmem>>)
      tpu.yield
    }) : () -> ()
    "tpu.region"() ({
      %run_scoped3A = tpu.sem_alloc : memref<!tpu.dma_semaphore, #tpu.memory_space<semaphore_mem>>
      %dma_start3A_23 = tpu.memref_slice %arg6[%multiple_of3A] : memref<262144xf32, #tpu.memory_space<hbm>> -> memref<8192xf32, #tpu.memory_space<hbm>>
      %dma_start3A_24 = tpu.memref_slice %arg6[%multiple_of3A] : memref<262144xf32, #tpu.memory_space<hbm>> -> memref<8192xf32, #tpu.memory_space<hbm>>
      tpu.enqueue_dma source(%dma_start3A_24 : memref<8192xf32, #tpu.memory_space<hbm>>) target(%arg17 : memref<8192xf32, #tpu.memory_space<vmem>>) target_semaphore(%run_scoped3A : memref<!tpu.dma_semaphore, #tpu.memory_space<semaphore_mem>>)
      %dma_wait3A_25 = tpu.memref_slice %arg6[%multiple_of3A] : memref<262144xf32, #tpu.memory_space<hbm>> -> memref<8192xf32, #tpu.memory_space<hbm>>
      %dma_wait3A_26 = tpu.memref_slice %arg6[%multiple_of3A] : memref<262144xf32, #tpu.memory_space<hbm>> -> memref<8192xf32, #tpu.memory_space<hbm>>
      tpu.wait_dma2 semaphore(%run_scoped3A : memref<!tpu.dma_semaphore, #tpu.memory_space<semaphore_mem>>) src(%dma_wait3A_26 : memref<8192xf32, #tpu.memory_space<hbm>>) dst(%arg17 : memref<8192xf32, #tpu.memory_space<vmem>>)
      tpu.yield
    }) : () -> ()
    "tpu.region"() ({
      %run_scoped3A = tpu.sem_alloc : memref<!tpu.dma_semaphore, #tpu.memory_space<semaphore_mem>>
      %dma_start3A_23 = tpu.memref_slice %arg7[%multiple_of3A] : memref<262144xi32, #tpu.memory_space<hbm>> -> memref<8192xi32, #tpu.memory_space<hbm>>
      %dma_start3A_24 = tpu.memref_slice %arg7[%multiple_of3A] : memref<262144xi32, #tpu.memory_space<hbm>> -> memref<8192xi32, #tpu.memory_space<hbm>>
      tpu.enqueue_dma source(%dma_start3A_24 : memref<8192xi32, #tpu.memory_space<hbm>>) target(%arg18 : memref<8192xi32, #tpu.memory_space<vmem>>) target_semaphore(%run_scoped3A : memref<!tpu.dma_semaphore, #tpu.memory_space<semaphore_mem>>)
      %dma_wait3A_25 = tpu.memref_slice %arg7[%multiple_of3A] : memref<262144xi32, #tpu.memory_space<hbm>> -> memref<8192xi32, #tpu.memory_space<hbm>>
      %dma_wait3A_26 = tpu.memref_slice %arg7[%multiple_of3A] : memref<262144xi32, #tpu.memory_space<hbm>> -> memref<8192xi32, #tpu.memory_space<hbm>>
      tpu.wait_dma2 semaphore(%run_scoped3A : memref<!tpu.dma_semaphore, #tpu.memory_space<semaphore_mem>>) src(%dma_wait3A_26 : memref<8192xi32, #tpu.memory_space<hbm>>) dst(%arg18 : memref<8192xi32, #tpu.memory_space<vmem>>)
      tpu.yield
    }) : () -> ()
    %dma_start3A = arith.constant 0 : i32
    %dma_start3A_3 = tpu.memref_slice %arg8[%dma_start3A] : memref<6664xf32, #tpu.memory_space<hbm>> -> memref<6664xf32, #tpu.memory_space<hbm>>
    tpu.enqueue_indirect_dma source(%arg13 : memref<8192xf32, #tpu.memory_space<vmem>>) target(%dma_start3A_3 : memref<6664xf32, #tpu.memory_space<hbm>>) offsets(%arg18 : memref<8192xi32, #tpu.memory_space<vmem>>) semaphore(%arg20 : memref<!tpu.dma_semaphore, #tpu.memory_space<semaphore_mem>>)
    %dma_start3A_4 = arith.constant 0 : i32
    %dma_start3A_5 = tpu.memref_slice %arg9[%dma_start3A_4] : memref<6664xf32, #tpu.memory_space<hbm>> -> memref<6664xf32, #tpu.memory_space<hbm>>
    tpu.enqueue_indirect_dma source(%arg14 : memref<8192xf32, #tpu.memory_space<vmem>>) target(%dma_start3A_5 : memref<6664xf32, #tpu.memory_space<hbm>>) offsets(%arg18 : memref<8192xi32, #tpu.memory_space<vmem>>) semaphore(%arg21 : memref<!tpu.dma_semaphore, #tpu.memory_space<semaphore_mem>>)
    %dma_start3A_6 = arith.constant 0 : i32
    %dma_start3A_7 = tpu.memref_slice %arg10[%dma_start3A_6] : memref<6664xf32, #tpu.memory_space<hbm>> -> memref<6664xf32, #tpu.memory_space<hbm>>
    tpu.enqueue_indirect_dma source(%arg15 : memref<8192xf32, #tpu.memory_space<vmem>>) target(%dma_start3A_7 : memref<6664xf32, #tpu.memory_space<hbm>>) offsets(%arg18 : memref<8192xi32, #tpu.memory_space<vmem>>) semaphore(%arg22 : memref<!tpu.dma_semaphore, #tpu.memory_space<semaphore_mem>>)
    %dma_start3A_8 = arith.constant 0 : i32
    %dma_start3A_9 = tpu.memref_slice %arg11[%dma_start3A_8] : memref<6664xf32, #tpu.memory_space<hbm>> -> memref<6664xf32, #tpu.memory_space<hbm>>
    tpu.enqueue_indirect_dma source(%arg16 : memref<8192xf32, #tpu.memory_space<vmem>>) target(%dma_start3A_9 : memref<6664xf32, #tpu.memory_space<hbm>>) offsets(%arg18 : memref<8192xi32, #tpu.memory_space<vmem>>) semaphore(%arg23 : memref<!tpu.dma_semaphore, #tpu.memory_space<semaphore_mem>>)
    %dma_start3A_10 = arith.constant 0 : i32
    %dma_start3A_11 = tpu.memref_slice %arg12[%dma_start3A_10] : memref<6664xf32, #tpu.memory_space<hbm>> -> memref<6664xf32, #tpu.memory_space<hbm>>
    tpu.enqueue_indirect_dma source(%arg17 : memref<8192xf32, #tpu.memory_space<vmem>>) target(%dma_start3A_11 : memref<6664xf32, #tpu.memory_space<hbm>>) offsets(%arg18 : memref<8192xi32, #tpu.memory_space<vmem>>) semaphore(%arg24 : memref<!tpu.dma_semaphore, #tpu.memory_space<semaphore_mem>>)
    %dma_wait3A = arith.constant 0 : i32
    %dma_wait3A_12 = tpu.memref_slice %arg8[%dma_wait3A] : memref<6664xf32, #tpu.memory_space<hbm>> -> memref<6664xf32, #tpu.memory_space<hbm>>
    tpu.wait_indirect_dma semaphore(%arg20 : memref<!tpu.dma_semaphore, #tpu.memory_space<semaphore_mem>>) src(%arg13 : memref<8192xf32, #tpu.memory_space<vmem>>) dst(%dma_wait3A_12 : memref<6664xf32, #tpu.memory_space<hbm>>)
    %dma_wait3A_13 = arith.constant 0 : i32
    %dma_wait3A_14 = tpu.memref_slice %arg9[%dma_wait3A_13] : memref<6664xf32, #tpu.memory_space<hbm>> -> memref<6664xf32, #tpu.memory_space<hbm>>
    tpu.wait_indirect_dma semaphore(%arg21 : memref<!tpu.dma_semaphore, #tpu.memory_space<semaphore_mem>>) src(%arg14 : memref<8192xf32, #tpu.memory_space<vmem>>) dst(%dma_wait3A_14 : memref<6664xf32, #tpu.memory_space<hbm>>)
    %dma_wait3A_15 = arith.constant 0 : i32
    %dma_wait3A_16 = tpu.memref_slice %arg10[%dma_wait3A_15] : memref<6664xf32, #tpu.memory_space<hbm>> -> memref<6664xf32, #tpu.memory_space<hbm>>
    tpu.wait_indirect_dma semaphore(%arg22 : memref<!tpu.dma_semaphore, #tpu.memory_space<semaphore_mem>>) src(%arg15 : memref<8192xf32, #tpu.memory_space<vmem>>) dst(%dma_wait3A_16 : memref<6664xf32, #tpu.memory_space<hbm>>)
    %dma_wait3A_17 = arith.constant 0 : i32
    %dma_wait3A_18 = tpu.memref_slice %arg11[%dma_wait3A_17] : memref<6664xf32, #tpu.memory_space<hbm>> -> memref<6664xf32, #tpu.memory_space<hbm>>
    tpu.wait_indirect_dma semaphore(%arg23 : memref<!tpu.dma_semaphore, #tpu.memory_space<semaphore_mem>>) src(%arg16 : memref<8192xf32, #tpu.memory_space<vmem>>) dst(%dma_wait3A_18 : memref<6664xf32, #tpu.memory_space<hbm>>)
    %dma_wait3A_19 = arith.constant 0 : i32
    %dma_wait3A_20 = tpu.memref_slice %arg12[%dma_wait3A_19] : memref<6664xf32, #tpu.memory_space<hbm>> -> memref<6664xf32, #tpu.memory_space<hbm>>
    tpu.wait_indirect_dma semaphore(%arg24 : memref<!tpu.dma_semaphore, #tpu.memory_space<semaphore_mem>>) src(%arg17 : memref<8192xf32, #tpu.memory_space<vmem>>) dst(%dma_wait3A_20 : memref<6664xf32, #tpu.memory_space<hbm>>)
    %eq3A = arith.constant 0 : i32
    %eq3A_21 = arith.cmpi eq, %arg1, %eq3A : i32
    %convert_element_type3A = arith.extui %eq3A_21 : i1 to i32
    %cond3A = arith.constant 0 : i32
    %cond3A_22 = arith.cmpi ne, %convert_element_type3A, %cond3A : i32
    scf.if %cond3A_22 {
      %broadcast_in_dim3A = arith.constant -1.000000e+30 : f32
      %broadcast_in_dim3A_23 = vector.broadcast %broadcast_in_dim3A : f32 to vector<16xf32>
      %swap3A = arith.constant 0 : index
      %swap3A_24 = tpu.vector_load %arg19[%swap3A] {strides = array<i32>} : memref<328xf32, #tpu.memory_space<vmem>>, vector<16xf32>,
      %swap3A_25 = vector.shape_cast %swap3A_24 : vector<16xf32> to vector<16xf32>
      %swap3A_26 = vector.shape_cast %broadcast_in_dim3A_23 : vector<16xf32> to vector<16xf32>
      tpu.vector_store %arg19[%swap3A], %swap3A_26 {strides = array<i32>} : memref<328xf32, #tpu.memory_space<vmem>>, vector<16xf32>,
      %broadcast_in_dim3A_27 = arith.constant -1.000000e+30 : f32
      %broadcast_in_dim3A_28 = vector.broadcast %broadcast_in_dim3A_27 : f32 to vector<16xf32>
      %swap3A_29 = arith.constant 16 : index
      %swap3A_30 = tpu.vector_load %arg19[%swap3A_29] {strides = array<i32>} : memref<328xf32, #tpu.memory_space<vmem>>, vector<16xf32>,
      %swap3A_31 = vector.shape_cast %swap3A_30 : vector<16xf32> to vector<16xf32>
      %swap3A_32 = vector.shape_cast %broadcast_in_dim3A_28 : vector<16xf32> to vector<16xf32>
      tpu.vector_store %arg19[%swap3A_29], %swap3A_32 {strides = array<i32>} : memref<328xf32, #tpu.memory_space<vmem>>, vector<16xf32>,
      %broadcast_in_dim3A_33 = arith.constant -1.000000e+30 : f32
      %broadcast_in_dim3A_34 = vector.broadcast %broadcast_in_dim3A_33 : f32 to vector<16xf32>
      %swap3A_35 = arith.constant 32 : index
      %swap3A_36 = tpu.vector_load %arg19[%swap3A_35] {strides = array<i32>} : memref<328xf32, #tpu.memory_space<vmem>>, vector<16xf32>,
      %swap3A_37 = vector.shape_cast %swap3A_36 : vector<16xf32> to vector<16xf32>
      %swap3A_38 = vector.shape_cast %broadcast_in_dim3A_34 : vector<16xf32> to vector<16xf32>
      tpu.vector_store %arg19[%swap3A_35], %swap3A_38 {strides = array<i32>} : memref<328xf32, #tpu.memory_space<vmem>>, vector<16xf32>,
      %broadcast_in_dim3A_39 = arith.constant -1.000000e+30 : f32
      %broadcast_in_dim3A_40 = vector.broadcast %broadcast_in_dim3A_39 : f32 to vector<16xf32>
      %swap3A_41 = arith.constant 48 : index
      %swap3A_42 = tpu.vector_load %arg19[%swap3A_41] {strides = array<i32>} : memref<328xf32, #tpu.memory_space<vmem>>, vector<16xf32>,
      %swap3A_43 = vector.shape_cast %swap3A_42 : vector<16xf32> to vector<16xf32>
      %swap3A_44 = vector.shape_cast %broadcast_in_dim3A_40 : vector<16xf32> to vector<16xf32>
      tpu.vector_store %arg19[%swap3A_41], %swap3A_44 {strides = array<i32>} : memref<328xf32, #tpu.memory_space<vmem>>, vector<16xf32>,
      %broadcast_in_dim3A_45 = arith.constant -1.000000e+30 : f32
      %broadcast_in_dim3A_46 = vector.broadcast %broadcast_in_dim3A_45 : f32 to vector<16xf32>
      %swap3A_47 = arith.constant 64 : index
      %swap3A_48 = tpu.vector_load %arg19[%swap3A_47] {strides = array<i32>} : memref<328xf32, #tpu.memory_space<vmem>>, vector<16xf32>,
      %swap3A_49 = vector.shape_cast %swap3A_48 : vector<16xf32> to vector<16xf32>
      %swap3A_50 = vector.shape_cast %broadcast_in_dim3A_46 : vector<16xf32> to vector<16xf32>
      tpu.vector_store %arg19[%swap3A_47], %swap3A_50 {strides = array<i32>} : memref<328xf32, #tpu.memory_space<vmem>>, vector<16xf32>,
      %broadcast_in_dim3A_51 = arith.constant -1.000000e+30 : f32
      %broadcast_in_dim3A_52 = vector.broadcast %broadcast_in_dim3A_51 : f32 to vector<16xf32>
      %swap3A_53 = arith.constant 80 : index
      %swap3A_54 = tpu.vector_load %arg19[%swap3A_53] {strides = array<i32>} : memref<328xf32, #tpu.memory_space<vmem>>, vector<16xf32>,
      %swap3A_55 = vector.shape_cast %swap3A_54 : vector<16xf32> to vector<16xf32>
      %swap3A_56 = vector.shape_cast %broadcast_in_dim3A_52 : vector<16xf32> to vector<16xf32>
      tpu.vector_store %arg19[%swap3A_53], %swap3A_56 {strides = array<i32>} : memref<328xf32, #tpu.memory_space<vmem>>, vector<16xf32>,
      %broadcast_in_dim3A_57 = arith.constant -1.000000e+30 : f32
      %broadcast_in_dim3A_58 = vector.broadcast %broadcast_in_dim3A_57 : f32 to vector<16xf32>
      %swap3A_59 = arith.constant 96 : index
      %swap3A_60 = tpu.vector_load %arg19[%swap3A_59] {strides = array<i32>} : memref<328xf32, #tpu.memory_space<vmem>>, vector<16xf32>,
      %swap3A_61 = vector.shape_cast %swap3A_60 : vector<16xf32> to vector<16xf32>
      %swap3A_62 = vector.shape_cast %broadcast_in_dim3A_58 : vector<16xf32> to vector<16xf32>
      tpu.vector_store %arg19[%swap3A_59], %swap3A_62 {strides = array<i32>} : memref<328xf32, #tpu.memory_space<vmem>>, vector<16xf32>,
      %broadcast_in_dim3A_63 = arith.constant -1.000000e+30 : f32
      %broadcast_in_dim3A_64 = vector.broadcast %broadcast_in_dim3A_63 : f32 to vector<16xf32>
      %swap3A_65 = arith.constant 112 : index
      %swap3A_66 = tpu.vector_load %arg19[%swap3A_65] {strides = array<i32>} : memref<328xf32, #tpu.memory_space<vmem>>, vector<16xf32>,
      %swap3A_67 = vector.shape_cast %swap3A_66 : vector<16xf32> to vector<16xf32>
      %swap3A_68 = vector.shape_cast %broadcast_in_dim3A_64 : vector<16xf32> to vector<16xf32>
      tpu.vector_store %arg19[%swap3A_65], %swap3A_68 {strides = array<i32>} : memref<328xf32, #tpu.memory_space<vmem>>, vector<16xf32>,
      %broadcast_in_dim3A_69 = arith.constant -1.000000e+30 : f32
      %broadcast_in_dim3A_70 = vector.broadcast %broadcast_in_dim3A_69 : f32 to vector<16xf32>
      %swap3A_71 = arith.constant 128 : index
      %swap3A_72 = tpu.vector_load %arg19[%swap3A_71] {strides = array<i32>} : memref<328xf32, #tpu.memory_space<vmem>>, vector<16xf32>,
      %swap3A_73 = vector.shape_cast %swap3A_72 : vector<16xf32> to vector<16xf32>
      %swap3A_74 = vector.shape_cast %broadcast_in_dim3A_70 : vector<16xf32> to vector<16xf32>
      tpu.vector_store %arg19[%swap3A_71], %swap3A_74 {strides = array<i32>} : memref<328xf32, #tpu.memory_space<vmem>>, vector<16xf32>,
      %broadcast_in_dim3A_75 = arith.constant -1.000000e+30 : f32
      %broadcast_in_dim3A_76 = vector.broadcast %broadcast_in_dim3A_75 : f32 to vector<16xf32>
      %swap3A_77 = arith.constant 144 : index
      %swap3A_78 = tpu.vector_load %arg19[%swap3A_77] {strides = array<i32>} : memref<328xf32, #tpu.memory_space<vmem>>, vector<16xf32>,
      %swap3A_79 = vector.shape_cast %swap3A_78 : vector<16xf32> to vector<16xf32>
      %swap3A_80 = vector.shape_cast %broadcast_in_dim3A_76 : vector<16xf32> to vector<16xf32>
      tpu.vector_store %arg19[%swap3A_77], %swap3A_80 {strides = array<i32>} : memref<328xf32, #tpu.memory_space<vmem>>, vector<16xf32>,
      %broadcast_in_dim3A_81 = arith.constant -1.000000e+30 : f32
      %broadcast_in_dim3A_82 = vector.broadcast %broadcast_in_dim3A_81 : f32 to vector<16xf32>
      %swap3A_83 = arith.constant 160 : index
      %swap3A_84 = tpu.vector_load %arg19[%swap3A_83] {strides = array<i32>} : memref<328xf32, #tpu.memory_space<vmem>>, vector<16xf32>,
      %swap3A_85 = vector.shape_cast %swap3A_84 : vector<16xf32> to vector<16xf32>
      %swap3A_86 = vector.shape_cast %broadcast_in_dim3A_82 : vector<16xf32> to vector<16xf32>
      tpu.vector_store %arg19[%swap3A_83], %swap3A_86 {strides = array<i32>} : memref<328xf32, #tpu.memory_space<vmem>>, vector<16xf32>,
      %broadcast_in_dim3A_87 = arith.constant -1.000000e+30 : f32
      %broadcast_in_dim3A_88 = vector.broadcast %broadcast_in_dim3A_87 : f32 to vector<16xf32>
      %swap3A_89 = arith.constant 176 : index
      %swap3A_90 = tpu.vector_load %arg19[%swap3A_89] {strides = array<i32>} : memref<328xf32, #tpu.memory_space<vmem>>, vector<16xf32>,
      %swap3A_91 = vector.shape_cast %swap3A_90 : vector<16xf32> to vector<16xf32>
      %swap3A_92 = vector.shape_cast %broadcast_in_dim3A_88 : vector<16xf32> to vector<16xf32>
      tpu.vector_store %arg19[%swap3A_89], %swap3A_92 {strides = array<i32>} : memref<328xf32, #tpu.memory_space<vmem>>, vector<16xf32>,
      %broadcast_in_dim3A_93 = arith.constant -1.000000e+30 : f32
      %broadcast_in_dim3A_94 = vector.broadcast %broadcast_in_dim3A_93 : f32 to vector<16xf32>
      %swap3A_95 = arith.constant 192 : index
      %swap3A_96 = tpu.vector_load %arg19[%swap3A_95] {strides = array<i32>} : memref<328xf32, #tpu.memory_space<vmem>>, vector<16xf32>,
      %swap3A_97 = vector.shape_cast %swap3A_96 : vector<16xf32> to vector<16xf32>
      %swap3A_98 = vector.shape_cast %broadcast_in_dim3A_94 : vector<16xf32> to vector<16xf32>
      tpu.vector_store %arg19[%swap3A_95], %swap3A_98 {strides = array<i32>} : memref<328xf32, #tpu.memory_space<vmem>>, vector<16xf32>,
      %broadcast_in_dim3A_99 = arith.constant -1.000000e+30 : f32
      %broadcast_in_dim3A_100 = vector.broadcast %broadcast_in_dim3A_99 : f32 to vector<16xf32>
      %swap3A_101 = arith.constant 208 : index
      %swap3A_102 = tpu.vector_load %arg19[%swap3A_101] {strides = array<i32>} : memref<328xf32, #tpu.memory_space<vmem>>, vector<16xf32>,
      %swap3A_103 = vector.shape_cast %swap3A_102 : vector<16xf32> to vector<16xf32>
      %swap3A_104 = vector.shape_cast %broadcast_in_dim3A_100 : vector<16xf32> to vector<16xf32>
      tpu.vector_store %arg19[%swap3A_101], %swap3A_104 {strides = array<i32>} : memref<328xf32, #tpu.memory_space<vmem>>, vector<16xf32>,
      %broadcast_in_dim3A_105 = arith.constant -1.000000e+30 : f32
      %broadcast_in_dim3A_106 = vector.broadcast %broadcast_in_dim3A_105 : f32 to vector<16xf32>
      %swap3A_107 = arith.constant 224 : index
      %swap3A_108 = tpu.vector_load %arg19[%swap3A_107] {strides = array<i32>} : memref<328xf32, #tpu.memory_space<vmem>>, vector<16xf32>,
      %swap3A_109 = vector.shape_cast %swap3A_108 : vector<16xf32> to vector<16xf32>
      %swap3A_110 = vector.shape_cast %broadcast_in_dim3A_106 : vector<16xf32> to vector<16xf32>
      tpu.vector_store %arg19[%swap3A_107], %swap3A_110 {strides = array<i32>} : memref<328xf32, #tpu.memory_space<vmem>>, vector<16xf32>,
      %broadcast_in_dim3A_111 = arith.constant -1.000000e+30 : f32
      %broadcast_in_dim3A_112 = vector.broadcast %broadcast_in_dim3A_111 : f32 to vector<16xf32>
      %swap3A_113 = arith.constant 240 : index
      %swap3A_114 = tpu.vector_load %arg19[%swap3A_113] {strides = array<i32>} : memref<328xf32, #tpu.memory_space<vmem>>, vector<16xf32>,
      %swap3A_115 = vector.shape_cast %swap3A_114 : vector<16xf32> to vector<16xf32>
      %swap3A_116 = vector.shape_cast %broadcast_in_dim3A_112 : vector<16xf32> to vector<16xf32>
      tpu.vector_store %arg19[%swap3A_113], %swap3A_116 {strides = array<i32>} : memref<328xf32, #tpu.memory_space<vmem>>, vector<16xf32>,
      %broadcast_in_dim3A_117 = arith.constant -1.000000e+30 : f32
      %broadcast_in_dim3A_118 = vector.broadcast %broadcast_in_dim3A_117 : f32 to vector<16xf32>
      %swap3A_119 = arith.constant 256 : index
      %swap3A_120 = tpu.vector_load %arg19[%swap3A_119] {strides = array<i32>} : memref<328xf32, #tpu.memory_space<vmem>>, vector<16xf32>,
      %swap3A_121 = vector.shape_cast %swap3A_120 : vector<16xf32> to vector<16xf32>
      %swap3A_122 = vector.shape_cast %broadcast_in_dim3A_118 : vector<16xf32> to vector<16xf32>
      tpu.vector_store %arg19[%swap3A_119], %swap3A_122 {strides = array<i32>} : memref<328xf32, #tpu.memory_space<vmem>>, vector<16xf32>,
      %broadcast_in_dim3A_123 = arith.constant -1.000000e+30 : f32
      %broadcast_in_dim3A_124 = vector.broadcast %broadcast_in_dim3A_123 : f32 to vector<16xf32>
      %swap3A_125 = arith.constant 272 : index
      %swap3A_126 = tpu.vector_load %arg19[%swap3A_125] {strides = array<i32>} : memref<328xf32, #tpu.memory_space<vmem>>, vector<16xf32>,
      %swap3A_127 = vector.shape_cast %swap3A_126 : vector<16xf32> to vector<16xf32>
      %swap3A_128 = vector.shape_cast %broadcast_in_dim3A_124 : vector<16xf32> to vector<16xf32>
      tpu.vector_store %arg19[%swap3A_125], %swap3A_128 {strides = array<i32>} : memref<328xf32, #tpu.memory_space<vmem>>, vector<16xf32>,
      %broadcast_in_dim3A_129 = arith.constant -1.000000e+30 : f32
      %broadcast_in_dim3A_130 = vector.broadcast %broadcast_in_dim3A_129 : f32 to vector<16xf32>
      %swap3A_131 = arith.constant 288 : index
      %swap3A_132 = tpu.vector_load %arg19[%swap3A_131] {strides = array<i32>} : memref<328xf32, #tpu.memory_space<vmem>>, vector<16xf32>,
      %swap3A_133 = vector.shape_cast %swap3A_132 : vector<16xf32> to vector<16xf32>
      %swap3A_134 = vector.shape_cast %broadcast_in_dim3A_130 : vector<16xf32> to vector<16xf32>
      tpu.vector_store %arg19[%swap3A_131], %swap3A_134 {strides = array<i32>} : memref<328xf32, #tpu.memory_space<vmem>>, vector<16xf32>,
      %broadcast_in_dim3A_135 = arith.constant -1.000000e+30 : f32
      %broadcast_in_dim3A_136 = vector.broadcast %broadcast_in_dim3A_135 : f32 to vector<16xf32>
      %swap3A_137 = arith.constant 304 : index
      %swap3A_138 = tpu.vector_load %arg19[%swap3A_137] {strides = array<i32>} : memref<328xf32, #tpu.memory_space<vmem>>, vector<16xf32>,
      %swap3A_139 = vector.shape_cast %swap3A_138 : vector<16xf32> to vector<16xf32>
      %swap3A_140 = vector.shape_cast %broadcast_in_dim3A_136 : vector<16xf32> to vector<16xf32>
      tpu.vector_store %arg19[%swap3A_137], %swap3A_140 {strides = array<i32>} : memref<328xf32, #tpu.memory_space<vmem>>, vector<16xf32>,
      %mul3A_141 = arith.constant 3328 : i32
      %mul3A_142 = arith.muli %arg0, %mul3A_141 : i32
      %add3A_143 = arith.constant 3000 : i32
      %add3A_144 = arith.addi %mul3A_142, %add3A_143 : i32
      %multiple_of3A_145 = tpu.assume_multiple %add3A_144, 8 : i32
      "tpu.region"() ({
        %run_scoped3A = tpu.sem_alloc : memref<!tpu.dma_semaphore, #tpu.memory_space<semaphore_mem>>
        %dma_start3A_266 = arith.constant 0 : i32
        %dma_start3A_267 = tpu.memref_slice %arg19[%dma_start3A_266] : memref<328xf32, #tpu.memory_space<vmem>> -> memref<328xf32, #tpu.memory_space<vmem>>
        %dma_start3A_268 = tpu.memref_slice %arg8[%multiple_of3A_145] : memref<6664xf32, #tpu.memory_space<hbm>> -> memref<328xf32, #tpu.memory_space<hbm>>
        %dma_start3A_269 = tpu.memref_slice %arg8[%multiple_of3A_145] : memref<6664xf32, #tpu.memory_space<hbm>> -> memref<328xf32, #tpu.memory_space<hbm>>
        %dma_start3A_270 = arith.constant 0 : i32
        %dma_start3A_271 = tpu.memref_slice %arg19[%dma_start3A_270] : memref<328xf32, #tpu.memory_space<vmem>> -> memref<328xf32, #tpu.memory_space<vmem>>
        tpu.enqueue_dma source(%dma_start3A_271 : memref<328xf32, #tpu.memory_space<vmem>>) target(%dma_start3A_269 : memref<328xf32, #tpu.memory_space<hbm>>) target_semaphore(%run_scoped3A : memref<!tpu.dma_semaphore, #tpu.memory_space<semaphore_mem>>)
        %dma_wait3A_272 = arith.constant 0 : i32
        %dma_wait3A_273 = tpu.memref_slice %arg19[%dma_wait3A_272] : memref<328xf32, #tpu.memory_space<vmem>> -> memref<328xf32, #tpu.memory_space<vmem>>
        %dma_wait3A_274 = tpu.memref_slice %arg8[%multiple_of3A_145] : memref<6664xf32, #tpu.memory_space<hbm>> -> memref<328xf32, #tpu.memory_space<hbm>>
        %dma_wait3A_275 = tpu.memref_slice %arg8[%multiple_of3A_145] : memref<6664xf32, #tpu.memory_space<hbm>> -> memref<328xf32, #tpu.memory_space<hbm>>
        %dma_wait3A_276 = arith.constant 0 : i32
        %dma_wait3A_277 = tpu.memref_slice %arg19[%dma_wait3A_276] : memref<328xf32, #tpu.memory_space<vmem>> -> memref<328xf32, #tpu.memory_space<vmem>>
        tpu.wait_dma2 semaphore(%run_scoped3A : memref<!tpu.dma_semaphore, #tpu.memory_space<semaphore_mem>>) src(%dma_wait3A_277 : memref<328xf32, #tpu.memory_space<vmem>>) dst(%dma_wait3A_275 : memref<328xf32, #tpu.memory_space<hbm>>)
        tpu.yield
      }) : () -> ()
      %broadcast_in_dim3A_146 = arith.constant 0.000000e+00 : f32
      %broadcast_in_dim3A_147 = vector.broadcast %broadcast_in_dim3A_146 : f32 to vector<16xf32>
      %swap3A_148 = arith.constant 0 : index
      %swap3A_149 = tpu.vector_load %arg19[%swap3A_148] {strides = array<i32>} : memref<328xf32, #tpu.memory_space<vmem>>, vector<16xf32>,
      %swap3A_150 = vector.shape_cast %swap3A_149 : vector<16xf32> to vector<16xf32>
      %swap3A_151 = vector.shape_cast %broadcast_in_dim3A_147 : vector<16xf32> to vector<16xf32>
      tpu.vector_store %arg19[%swap3A_148], %swap3A_151 {strides = array<i32>} : memref<328xf32, #tpu.memory_space<vmem>>, vector<16xf32>,
      %broadcast_in_dim3A_152 = arith.constant 0.000000e+00 : f32
      %broadcast_in_dim3A_153 = vector.broadcast %broadcast_in_dim3A_152 : f32 to vector<16xf32>
      %swap3A_154 = arith.constant 16 : index
      %swap3A_155 = tpu.vector_load %arg19[%swap3A_154] {strides = array<i32>} : memref<328xf32, #tpu.memory_space<vmem>>, vector<16xf32>,
      %swap3A_156 = vector.shape_cast %swap3A_155 : vector<16xf32> to vector<16xf32>
      %swap3A_157 = vector.shape_cast %broadcast_in_dim3A_153 : vector<16xf32> to vector<16xf32>
      tpu.vector_store %arg19[%swap3A_154], %swap3A_157 {strides = array<i32>} : memref<328xf32, #tpu.memory_space<vmem>>, vector<16xf32>,
      %broadcast_in_dim3A_158 = arith.constant 0.000000e+00 : f32
      %broadcast_in_dim3A_159 = vector.broadcast %broadcast_in_dim3A_158 : f32 to vector<16xf32>
      %swap3A_160 = arith.constant 32 : index
      %swap3A_161 = tpu.vector_load %arg19[%swap3A_160] {strides = array<i32>} : memref<328xf32, #tpu.memory_space<vmem>>, vector<16xf32>,
      %swap3A_162 = vector.shape_cast %swap3A_161 : vector<16xf32> to vector<16xf32>
      %swap3A_163 = vector.shape_cast %broadcast_in_dim3A_159 : vector<16xf32> to vector<16xf32>
      tpu.vector_store %arg19[%swap3A_160], %swap3A_163 {strides = array<i32>} : memref<328xf32, #tpu.memory_space<vmem>>, vector<16xf32>,
      %broadcast_in_dim3A_164 = arith.constant 0.000000e+00 : f32
      %broadcast_in_dim3A_165 = vector.broadcast %broadcast_in_dim3A_164 : f32 to vector<16xf32>
      %swap3A_166 = arith.constant 48 : index
      %swap3A_167 = tpu.vector_load %arg19[%swap3A_166] {strides = array<i32>} : memref<328xf32, #tpu.memory_space<vmem>>, vector<16xf32>,
      %swap3A_168 = vector.shape_cast %swap3A_167 : vector<16xf32> to vector<16xf32>
      %swap3A_169 = vector.shape_cast %broadcast_in_dim3A_165 : vector<16xf32> to vector<16xf32>
      tpu.vector_store %arg19[%swap3A_166], %swap3A_169 {strides = array<i32>} : memref<328xf32, #tpu.memory_space<vmem>>, vector<16xf32>,
      %broadcast_in_dim3A_170 = arith.constant 0.000000e+00 : f32
      %broadcast_in_dim3A_171 = vector.broadcast %broadcast_in_dim3A_170 : f32 to vector<16xf32>
      %swap3A_172 = arith.constant 64 : index
      %swap3A_173 = tpu.vector_load %arg19[%swap3A_172] {strides = array<i32>} : memref<328xf32, #tpu.memory_space<vmem>>, vector<16xf32>,
      %swap3A_174 = vector.shape_cast %swap3A_173 : vector<16xf32> to vector<16xf32>
      %swap3A_175 = vector.shape_cast %broadcast_in_dim3A_171 : vector<16xf32> to vector<16xf32>
      tpu.vector_store %arg19[%swap3A_172], %swap3A_175 {strides = array<i32>} : memref<328xf32, #tpu.memory_space<vmem>>, vector<16xf32>,
      %broadcast_in_dim3A_176 = arith.constant 0.000000e+00 : f32
      %broadcast_in_dim3A_177 = vector.broadcast %broadcast_in_dim3A_176 : f32 to vector<16xf32>
      %swap3A_178 = arith.constant 80 : index
      %swap3A_179 = tpu.vector_load %arg19[%swap3A_178] {strides = array<i32>} : memref<328xf32, #tpu.memory_space<vmem>>, vector<16xf32>,
      %swap3A_180 = vector.shape_cast %swap3A_179 : vector<16xf32> to vector<16xf32>
      %swap3A_181 = vector.shape_cast %broadcast_in_dim3A_177 : vector<16xf32> to vector<16xf32>
      tpu.vector_store %arg19[%swap3A_178], %swap3A_181 {strides = array<i32>} : memref<328xf32, #tpu.memory_space<vmem>>, vector<16xf32>,
      %broadcast_in_dim3A_182 = arith.constant 0.000000e+00 : f32
      %broadcast_in_dim3A_183 = vector.broadcast %broadcast_in_dim3A_182 : f32 to vector<16xf32>
      %swap3A_184 = arith.constant 96 : index
      %swap3A_185 = tpu.vector_load %arg19[%swap3A_184] {strides = array<i32>} : memref<328xf32, #tpu.memory_space<vmem>>, vector<16xf32>,
      %swap3A_186 = vector.shape_cast %swap3A_185 : vector<16xf32> to vector<16xf32>
      %swap3A_187 = vector.shape_cast %broadcast_in_dim3A_183 : vector<16xf32> to vector<16xf32>
      tpu.vector_store %arg19[%swap3A_184], %swap3A_187 {strides = array<i32>} : memref<328xf32, #tpu.memory_space<vmem>>, vector<16xf32>,
      %broadcast_in_dim3A_188 = arith.constant 0.000000e+00 : f32
      %broadcast_in_dim3A_189 = vector.broadcast %broadcast_in_dim3A_188 : f32 to vector<16xf32>
      %swap3A_190 = arith.constant 112 : index
      %swap3A_191 = tpu.vector_load %arg19[%swap3A_190] {strides = array<i32>} : memref<328xf32, #tpu.memory_space<vmem>>, vector<16xf32>,
      %swap3A_192 = vector.shape_cast %swap3A_191 : vector<16xf32> to vector<16xf32>
      %swap3A_193 = vector.shape_cast %broadcast_in_dim3A_189 : vector<16xf32> to vector<16xf32>
      tpu.vector_store %arg19[%swap3A_190], %swap3A_193 {strides = array<i32>} : memref<328xf32, #tpu.memory_space<vmem>>, vector<16xf32>,
      %broadcast_in_dim3A_194 = arith.constant 0.000000e+00 : f32
      %broadcast_in_dim3A_195 = vector.broadcast %broadcast_in_dim3A_194 : f32 to vector<16xf32>
      %swap3A_196 = arith.constant 128 : index
      %swap3A_197 = tpu.vector_load %arg19[%swap3A_196] {strides = array<i32>} : memref<328xf32, #tpu.memory_space<vmem>>, vector<16xf32>,
      %swap3A_198 = vector.shape_cast %swap3A_197 : vector<16xf32> to vector<16xf32>
      %swap3A_199 = vector.shape_cast %broadcast_in_dim3A_195 : vector<16xf32> to vector<16xf32>
      tpu.vector_store %arg19[%swap3A_196], %swap3A_199 {strides = array<i32>} : memref<328xf32, #tpu.memory_space<vmem>>, vector<16xf32>,
      %broadcast_in_dim3A_200 = arith.constant 0.000000e+00 : f32
      %broadcast_in_dim3A_201 = vector.broadcast %broadcast_in_dim3A_200 : f32 to vector<16xf32>
      %swap3A_202 = arith.constant 144 : index
      %swap3A_203 = tpu.vector_load %arg19[%swap3A_202] {strides = array<i32>} : memref<328xf32, #tpu.memory_space<vmem>>, vector<16xf32>,
      %swap3A_204 = vector.shape_cast %swap3A_203 : vector<16xf32> to vector<16xf32>
      %swap3A_205 = vector.shape_cast %broadcast_in_dim3A_201 : vector<16xf32> to vector<16xf32>
      tpu.vector_store %arg19[%swap3A_202], %swap3A_205 {strides = array<i32>} : memref<328xf32, #tpu.memory_space<vmem>>, vector<16xf32>,
      %broadcast_in_dim3A_206 = arith.constant 0.000000e+00 : f32
      %broadcast_in_dim3A_207 = vector.broadcast %broadcast_in_dim3A_206 : f32 to vector<16xf32>
      %swap3A_208 = arith.constant 160 : index
      %swap3A_209 = tpu.vector_load %arg19[%swap3A_208] {strides = array<i32>} : memref<328xf32, #tpu.memory_space<vmem>>, vector<16xf32>,
      %swap3A_210 = vector.shape_cast %swap3A_209 : vector<16xf32> to vector<16xf32>
      %swap3A_211 = vector.shape_cast %broadcast_in_dim3A_207 : vector<16xf32> to vector<16xf32>
      tpu.vector_store %arg19[%swap3A_208], %swap3A_211 {strides = array<i32>} : memref<328xf32, #tpu.memory_space<vmem>>, vector<16xf32>,
      %broadcast_in_dim3A_212 = arith.constant 0.000000e+00 : f32
      %broadcast_in_dim3A_213 = vector.broadcast %broadcast_in_dim3A_212 : f32 to vector<16xf32>
      %swap3A_214 = arith.constant 176 : index
      %swap3A_215 = tpu.vector_load %arg19[%swap3A_214] {strides = array<i32>} : memref<328xf32, #tpu.memory_space<vmem>>, vector<16xf32>,
      %swap3A_216 = vector.shape_cast %swap3A_215 : vector<16xf32> to vector<16xf32>
      %swap3A_217 = vector.shape_cast %broadcast_in_dim3A_213 : vector<16xf32> to vector<16xf32>
      tpu.vector_store %arg19[%swap3A_214], %swap3A_217 {strides = array<i32>} : memref<328xf32, #tpu.memory_space<vmem>>, vector<16xf32>,
      %broadcast_in_dim3A_218 = arith.constant 0.000000e+00 : f32
      %broadcast_in_dim3A_219 = vector.broadcast %broadcast_in_dim3A_218 : f32 to vector<16xf32>
      %swap3A_220 = arith.constant 192 : index
      %swap3A_221 = tpu.vector_load %arg19[%swap3A_220] {strides = array<i32>} : memref<328xf32, #tpu.memory_space<vmem>>, vector<16xf32>,
      %swap3A_222 = vector.shape_cast %swap3A_221 : vector<16xf32> to vector<16xf32>
      %swap3A_223 = vector.shape_cast %broadcast_in_dim3A_219 : vector<16xf32> to vector<16xf32>
      tpu.vector_store %arg19[%swap3A_220], %swap3A_223 {strides = array<i32>} : memref<328xf32, #tpu.memory_space<vmem>>, vector<16xf32>,
      %broadcast_in_dim3A_224 = arith.constant 0.000000e+00 : f32
      %broadcast_in_dim3A_225 = vector.broadcast %broadcast_in_dim3A_224 : f32 to vector<16xf32>
      %swap3A_226 = arith.constant 208 : index
      %swap3A_227 = tpu.vector_load %arg19[%swap3A_226] {strides = array<i32>} : memref<328xf32, #tpu.memory_space<vmem>>, vector<16xf32>,
      %swap3A_228 = vector.shape_cast %swap3A_227 : vector<16xf32> to vector<16xf32>
      %swap3A_229 = vector.shape_cast %broadcast_in_dim3A_225 : vector<16xf32> to vector<16xf32>
      tpu.vector_store %arg19[%swap3A_226], %swap3A_229 {strides = array<i32>} : memref<328xf32, #tpu.memory_space<vmem>>, vector<16xf32>,
      %broadcast_in_dim3A_230 = arith.constant 0.000000e+00 : f32
      %broadcast_in_dim3A_231 = vector.broadcast %broadcast_in_dim3A_230 : f32 to vector<16xf32>
      %swap3A_232 = arith.constant 224 : index
      %swap3A_233 = tpu.vector_load %arg19[%swap3A_232] {strides = array<i32>} : memref<328xf32, #tpu.memory_space<vmem>>, vector<16xf32>,
      %swap3A_234 = vector.shape_cast %swap3A_233 : vector<16xf32> to vector<16xf32>
      %swap3A_235 = vector.shape_cast %broadcast_in_dim3A_231 : vector<16xf32> to vector<16xf32>
      tpu.vector_store %arg19[%swap3A_232], %swap3A_235 {strides = array<i32>} : memref<328xf32, #tpu.memory_space<vmem>>, vector<16xf32>,
      %broadcast_in_dim3A_236 = arith.constant 0.000000e+00 : f32
      %broadcast_in_dim3A_237 = vector.broadcast %broadcast_in_dim3A_236 : f32 to vector<16xf32>
      %swap3A_238 = arith.constant 240 : index
      %swap3A_239 = tpu.vector_load %arg19[%swap3A_238] {strides = array<i32>} : memref<328xf32, #tpu.memory_space<vmem>>, vector<16xf32>,
      %swap3A_240 = vector.shape_cast %swap3A_239 : vector<16xf32> to vector<16xf32>
      %swap3A_241 = vector.shape_cast %broadcast_in_dim3A_237 : vector<16xf32> to vector<16xf32>
      tpu.vector_store %arg19[%swap3A_238], %swap3A_241 {strides = array<i32>} : memref<328xf32, #tpu.memory_space<vmem>>, vector<16xf32>,
      %broadcast_in_dim3A_242 = arith.constant 0.000000e+00 : f32
      %broadcast_in_dim3A_243 = vector.broadcast %broadcast_in_dim3A_242 : f32 to vector<16xf32>
      %swap3A_244 = arith.constant 256 : index
      %swap3A_245 = tpu.vector_load %arg19[%swap3A_244] {strides = array<i32>} : memref<328xf32, #tpu.memory_space<vmem>>, vector<16xf32>,
      %swap3A_246 = vector.shape_cast %swap3A_245 : vector<16xf32> to vector<16xf32>
      %swap3A_247 = vector.shape_cast %broadcast_in_dim3A_243 : vector<16xf32> to vector<16xf32>
      tpu.vector_store %arg19[%swap3A_244], %swap3A_247 {strides = array<i32>} : memref<328xf32, #tpu.memory_space<vmem>>, vector<16xf32>,
      %broadcast_in_dim3A_248 = arith.constant 0.000000e+00 : f32
      %broadcast_in_dim3A_249 = vector.broadcast %broadcast_in_dim3A_248 : f32 to vector<16xf32>
      %swap3A_250 = arith.constant 272 : index
      %swap3A_251 = tpu.vector_load %arg19[%swap3A_250] {strides = array<i32>} : memref<328xf32, #tpu.memory_space<vmem>>, vector<16xf32>,
      %swap3A_252 = vector.shape_cast %swap3A_251 : vector<16xf32> to vector<16xf32>
      %swap3A_253 = vector.shape_cast %broadcast_in_dim3A_249 : vector<16xf32> to vector<16xf32>
      tpu.vector_store %arg19[%swap3A_250], %swap3A_253 {strides = array<i32>} : memref<328xf32, #tpu.memory_space<vmem>>, vector<16xf32>,
      %broadcast_in_dim3A_254 = arith.constant 0.000000e+00 : f32
      %broadcast_in_dim3A_255 = vector.broadcast %broadcast_in_dim3A_254 : f32 to vector<16xf32>
      %swap3A_256 = arith.constant 288 : index
      %swap3A_257 = tpu.vector_load %arg19[%swap3A_256] {strides = array<i32>} : memref<328xf32, #tpu.memory_space<vmem>>, vector<16xf32>,
      %swap3A_258 = vector.shape_cast %swap3A_257 : vector<16xf32> to vector<16xf32>
      %swap3A_259 = vector.shape_cast %broadcast_in_dim3A_255 : vector<16xf32> to vector<16xf32>
      tpu.vector_store %arg19[%swap3A_256], %swap3A_259 {strides = array<i32>} : memref<328xf32, #tpu.memory_space<vmem>>, vector<16xf32>,
      %broadcast_in_dim3A_260 = arith.constant 0.000000e+00 : f32
      %broadcast_in_dim3A_261 = vector.broadcast %broadcast_in_dim3A_260 : f32 to vector<16xf32>
      %swap3A_262 = arith.constant 304 : index
      %swap3A_263 = tpu.vector_load %arg19[%swap3A_262] {strides = array<i32>} : memref<328xf32, #tpu.memory_space<vmem>>, vector<16xf32>,
      %swap3A_264 = vector.shape_cast %swap3A_263 : vector<16xf32> to vector<16xf32>
      %swap3A_265 = vector.shape_cast %broadcast_in_dim3A_261 : vector<16xf32> to vector<16xf32>
      tpu.vector_store %arg19[%swap3A_262], %swap3A_265 {strides = array<i32>} : memref<328xf32, #tpu.memory_space<vmem>>, vector<16xf32>,
      "tpu.region"() ({
        %run_scoped3A = tpu.sem_alloc : memref<!tpu.dma_semaphore, #tpu.memory_space<semaphore_mem>>
        %dma_start3A_266 = arith.constant 0 : i32
        %dma_start3A_267 = tpu.memref_slice %arg19[%dma_start3A_266] : memref<328xf32, #tpu.memory_space<vmem>> -> memref<328xf32, #tpu.memory_space<vmem>>
        %dma_start3A_268 = tpu.memref_slice %arg9[%multiple_of3A_145] : memref<6664xf32, #tpu.memory_space<hbm>> -> memref<328xf32, #tpu.memory_space<hbm>>
        %dma_start3A_269 = tpu.memref_slice %arg9[%multiple_of3A_145] : memref<6664xf32, #tpu.memory_space<hbm>> -> memref<328xf32, #tpu.memory_space<hbm>>
        %dma_start3A_270 = arith.constant 0 : i32
        %dma_start3A_271 = tpu.memref_slice %arg19[%dma_start3A_270] : memref<328xf32, #tpu.memory_space<vmem>> -> memref<328xf32, #tpu.memory_space<vmem>>
        tpu.enqueue_dma source(%dma_start3A_271 : memref<328xf32, #tpu.memory_space<vmem>>) target(%dma_start3A_269 : memref<328xf32, #tpu.memory_space<hbm>>) target_semaphore(%run_scoped3A : memref<!tpu.dma_semaphore, #tpu.memory_space<semaphore_mem>>)
        %dma_wait3A_272 = arith.constant 0 : i32
        %dma_wait3A_273 = tpu.memref_slice %arg19[%dma_wait3A_272] : memref<328xf32, #tpu.memory_space<vmem>> -> memref<328xf32, #tpu.memory_space<vmem>>
        %dma_wait3A_274 = tpu.memref_slice %arg9[%multiple_of3A_145] : memref<6664xf32, #tpu.memory_space<hbm>> -> memref<328xf32, #tpu.memory_space<hbm>>
        %dma_wait3A_275 = tpu.memref_slice %arg9[%multiple_of3A_145] : memref<6664xf32, #tpu.memory_space<hbm>> -> memref<328xf32, #tpu.memory_space<hbm>>
        %dma_wait3A_276 = arith.constant 0 : i32
        %dma_wait3A_277 = tpu.memref_slice %arg19[%dma_wait3A_276] : memref<328xf32, #tpu.memory_space<vmem>> -> memref<328xf32, #tpu.memory_space<vmem>>
        tpu.wait_dma2 semaphore(%run_scoped3A : memref<!tpu.dma_semaphore, #tpu.memory_space<semaphore_mem>>) src(%dma_wait3A_277 : memref<328xf32, #tpu.memory_space<vmem>>) dst(%dma_wait3A_275 : memref<328xf32, #tpu.memory_space<hbm>>)
        tpu.yield
      }) : () -> ()
      "tpu.region"() ({
        %run_scoped3A = tpu.sem_alloc : memref<!tpu.dma_semaphore, #tpu.memory_space<semaphore_mem>>
        %dma_start3A_266 = arith.constant 0 : i32
        %dma_start3A_267 = tpu.memref_slice %arg19[%dma_start3A_266] : memref<328xf32, #tpu.memory_space<vmem>> -> memref<328xf32, #tpu.memory_space<vmem>>
        %dma_start3A_268 = tpu.memref_slice %arg10[%multiple_of3A_145] : memref<6664xf32, #tpu.memory_space<hbm>> -> memref<328xf32, #tpu.memory_space<hbm>>
        %dma_start3A_269 = tpu.memref_slice %arg10[%multiple_of3A_145] : memref<6664xf32, #tpu.memory_space<hbm>> -> memref<328xf32, #tpu.memory_space<hbm>>
        %dma_start3A_270 = arith.constant 0 : i32
        %dma_start3A_271 = tpu.memref_slice %arg19[%dma_start3A_270] : memref<328xf32, #tpu.memory_space<vmem>> -> memref<328xf32, #tpu.memory_space<vmem>>
        tpu.enqueue_dma source(%dma_start3A_271 : memref<328xf32, #tpu.memory_space<vmem>>) target(%dma_start3A_269 : memref<328xf32, #tpu.memory_space<hbm>>) target_semaphore(%run_scoped3A : memref<!tpu.dma_semaphore, #tpu.memory_space<semaphore_mem>>)
        %dma_wait3A_272 = arith.constant 0 : i32
        %dma_wait3A_273 = tpu.memref_slice %arg19[%dma_wait3A_272] : memref<328xf32, #tpu.memory_space<vmem>> -> memref<328xf32, #tpu.memory_space<vmem>>
        %dma_wait3A_274 = tpu.memref_slice %arg10[%multiple_of3A_145] : memref<6664xf32, #tpu.memory_space<hbm>> -> memref<328xf32, #tpu.memory_space<hbm>>
        %dma_wait3A_275 = tpu.memref_slice %arg10[%multiple_of3A_145] : memref<6664xf32, #tpu.memory_space<hbm>> -> memref<328xf32, #tpu.memory_space<hbm>>
        %dma_wait3A_276 = arith.constant 0 : i32
        %dma_wait3A_277 = tpu.memref_slice %arg19[%dma_wait3A_276] : memref<328xf32, #tpu.memory_space<vmem>> -> memref<328xf32, #tpu.memory_space<vmem>>
        tpu.wait_dma2 semaphore(%run_scoped3A : memref<!tpu.dma_semaphore, #tpu.memory_space<semaphore_mem>>) src(%dma_wait3A_277 : memref<328xf32, #tpu.memory_space<vmem>>) dst(%dma_wait3A_275 : memref<328xf32, #tpu.memory_space<hbm>>)
        tpu.yield
      }) : () -> ()
      "tpu.region"() ({
        %run_scoped3A = tpu.sem_alloc : memref<!tpu.dma_semaphore, #tpu.memory_space<semaphore_mem>>
        %dma_start3A_266 = arith.constant 0 : i32
        %dma_start3A_267 = tpu.memref_slice %arg19[%dma_start3A_266] : memref<328xf32, #tpu.memory_space<vmem>> -> memref<328xf32, #tpu.memory_space<vmem>>
        %dma_start3A_268 = tpu.memref_slice %arg11[%multiple_of3A_145] : memref<6664xf32, #tpu.memory_space<hbm>> -> memref<328xf32, #tpu.memory_space<hbm>>
        %dma_start3A_269 = tpu.memref_slice %arg11[%multiple_of3A_145] : memref<6664xf32, #tpu.memory_space<hbm>> -> memref<328xf32, #tpu.memory_space<hbm>>
        %dma_start3A_270 = arith.constant 0 : i32
        %dma_start3A_271 = tpu.memref_slice %arg19[%dma_start3A_270] : memref<328xf32, #tpu.memory_space<vmem>> -> memref<328xf32, #tpu.memory_space<vmem>>
        tpu.enqueue_dma source(%dma_start3A_271 : memref<328xf32, #tpu.memory_space<vmem>>) target(%dma_start3A_269 : memref<328xf32, #tpu.memory_space<hbm>>) target_semaphore(%run_scoped3A : memref<!tpu.dma_semaphore, #tpu.memory_space<semaphore_mem>>)
        %dma_wait3A_272 = arith.constant 0 : i32
        %dma_wait3A_273 = tpu.memref_slice %arg19[%dma_wait3A_272] : memref<328xf32, #tpu.memory_space<vmem>> -> memref<328xf32, #tpu.memory_space<vmem>>
        %dma_wait3A_274 = tpu.memref_slice %arg11[%multiple_of3A_145] : memref<6664xf32, #tpu.memory_space<hbm>> -> memref<328xf32, #tpu.memory_space<hbm>>
        %dma_wait3A_275 = tpu.memref_slice %arg11[%multiple_of3A_145] : memref<6664xf32, #tpu.memory_space<hbm>> -> memref<328xf32, #tpu.memory_space<hbm>>
        %dma_wait3A_276 = arith.constant 0 : i32
        %dma_wait3A_277 = tpu.memref_slice %arg19[%dma_wait3A_276] : memref<328xf32, #tpu.memory_space<vmem>> -> memref<328xf32, #tpu.memory_space<vmem>>
        tpu.wait_dma2 semaphore(%run_scoped3A : memref<!tpu.dma_semaphore, #tpu.memory_space<semaphore_mem>>) src(%dma_wait3A_277 : memref<328xf32, #tpu.memory_space<vmem>>) dst(%dma_wait3A_275 : memref<328xf32, #tpu.memory_space<hbm>>)
        tpu.yield
      }) : () -> ()
      "tpu.region"() ({
        %run_scoped3A = tpu.sem_alloc : memref<!tpu.dma_semaphore, #tpu.memory_space<semaphore_mem>>
        %dma_start3A_266 = arith.constant 0 : i32
        %dma_start3A_267 = tpu.memref_slice %arg19[%dma_start3A_266] : memref<328xf32, #tpu.memory_space<vmem>> -> memref<328xf32, #tpu.memory_space<vmem>>
        %dma_start3A_268 = tpu.memref_slice %arg12[%multiple_of3A_145] : memref<6664xf32, #tpu.memory_space<hbm>> -> memref<328xf32, #tpu.memory_space<hbm>>
        %dma_start3A_269 = tpu.memref_slice %arg12[%multiple_of3A_145] : memref<6664xf32, #tpu.memory_space<hbm>> -> memref<328xf32, #tpu.memory_space<hbm>>
        %dma_start3A_270 = arith.constant 0 : i32
        %dma_start3A_271 = tpu.memref_slice %arg19[%dma_start3A_270] : memref<328xf32, #tpu.memory_space<vmem>> -> memref<328xf32, #tpu.memory_space<vmem>>
        tpu.enqueue_dma source(%dma_start3A_271 : memref<328xf32, #tpu.memory_space<vmem>>) target(%dma_start3A_269 : memref<328xf32, #tpu.memory_space<hbm>>) target_semaphore(%run_scoped3A : memref<!tpu.dma_semaphore, #tpu.memory_space<semaphore_mem>>)
        %dma_wait3A_272 = arith.constant 0 : i32
        %dma_wait3A_273 = tpu.memref_slice %arg19[%dma_wait3A_272] : memref<328xf32, #tpu.memory_space<vmem>> -> memref<328xf32, #tpu.memory_space<vmem>>
        %dma_wait3A_274 = tpu.memref_slice %arg12[%multiple_of3A_145] : memref<6664xf32, #tpu.memory_space<hbm>> -> memref<328xf32, #tpu.memory_space<hbm>>
        %dma_wait3A_275 = tpu.memref_slice %arg12[%multiple_of3A_145] : memref<6664xf32, #tpu.memory_space<hbm>> -> memref<328xf32, #tpu.memory_space<hbm>>
        %dma_wait3A_276 = arith.constant 0 : i32
        %dma_wait3A_277 = tpu.memref_slice %arg19[%dma_wait3A_276] : memref<328xf32, #tpu.memory_space<vmem>> -> memref<328xf32, #tpu.memory_space<vmem>>
        tpu.wait_dma2 semaphore(%run_scoped3A : memref<!tpu.dma_semaphore, #tpu.memory_space<semaphore_mem>>) src(%dma_wait3A_277 : memref<328xf32, #tpu.memory_space<vmem>>) dst(%dma_wait3A_275 : memref<328xf32, #tpu.memory_space<hbm>>)
        tpu.yield
      }) : () -> ()
    } else {
    }
    return
  }
}

module attributes {stable_mosaic.version = 14 : i64} {
  func.func @_decode_select_body(%arg0: i32, %arg1: memref<1x1024x128xf32, #tpu.memory_space<vmem>>, %arg2: memref<1x1024x128xf32, #tpu.memory_space<vmem>>, %arg3: memref<1x1024x128xf32, #tpu.memory_space<vmem>>, %arg4: memref<1x1024x128xf32, #tpu.memory_space<vmem>>, %arg5: memref<1x1024x128xf32, #tpu.memory_space<vmem>>, %arg6: memref<1024x128xf32, #tpu.memory_space<vmem>>, %arg7: memref<1024x128xf32, #tpu.memory_space<vmem>>, %arg8: memref<1024x128xf32, #tpu.memory_space<vmem>>, %arg9: memref<1024x128xf32, #tpu.memory_space<vmem>>, %arg10: memref<1x1024x128xf32, #tpu.memory_space<vmem>>, %arg11: memref<1x1024x128xf32, #tpu.memory_space<vmem>>, %arg12: memref<1x1024x128xf32, #tpu.memory_space<vmem>>, %arg13: memref<1x1024x128xf32, #tpu.memory_space<vmem>>, %arg14: memref<1x1024x128xf32, #tpu.memory_space<vmem>>, %arg15: memref<1x1024x128xi32, #tpu.memory_space<vmem>>) attributes {dimension_semantics = [#tpu.dimension_semantics<parallel>], iteration_bounds = array<i64: 2>, scalar_prefetch = 0 : i64, scratch_operands = 0 : i64, tpu.core_type = #tpu.core_type<tc>, window_params = [{transform_indices = @transform_0, window_bounds = array<i64: 1, 1024, 128>}, {transform_indices = @transform_1, window_bounds = array<i64: 1, 1024, 128>}, {transform_indices = @transform_2, window_bounds = array<i64: 1, 1024, 128>}, {transform_indices = @transform_3, window_bounds = array<i64: 1, 1024, 128>}, {transform_indices = @transform_4, window_bounds = array<i64: 1, 1024, 128>}, {pipeline_mode = #tpu.pipeline_mode<synchronous>, transform_indices = @transform_5, window_bounds = array<i64: 1024, 128>}, {pipeline_mode = #tpu.pipeline_mode<synchronous>, transform_indices = @transform_6, window_bounds = array<i64: 1024, 128>}, {pipeline_mode = #tpu.pipeline_mode<synchronous>, transform_indices = @transform_7, window_bounds = array<i64: 1024, 128>}, {pipeline_mode = #tpu.pipeline_mode<synchronous>, transform_indices = @transform_8, window_bounds = array<i64: 1024, 128>}, {transform_indices = @transform_9, window_bounds = array<i64: 1, 1024, 128>}, {transform_indices = @transform_10, window_bounds = array<i64: 1, 1024, 128>}, {transform_indices = @transform_11, window_bounds = array<i64: 1, 1024, 128>}, {transform_indices = @transform_12, window_bounds = array<i64: 1, 1024, 128>}, {transform_indices = @transform_13, window_bounds = array<i64: 1, 1024, 128>}, {transform_indices = @transform_14, window_bounds = array<i64: 1, 1024, 128>}]} {
    %get3A = arith.constant 0 : index
    %get3A_0 = arith.constant 0 : index
    %get3A_1 = arith.constant 0 : index
    %get3A_2 = vector.load %arg2[%get3A, %get3A_0, %get3A_1] : memref<1x1024x128xf32, #tpu.memory_space<vmem>>, vector<1x1024x128xf32>
    %get3A_3 = vector.shape_cast %get3A_2 : vector<1x1024x128xf32> to vector<1024x128xf32>
    %get3A_4 = arith.constant 0 : index
    %get3A_5 = arith.constant 0 : index
    %get3A_6 = vector.load %arg6[%get3A_4, %get3A_5] : memref<1024x128xf32, #tpu.memory_space<vmem>>, vector<1024x128xf32>
    %add3A = arith.addf %get3A_3, %get3A_6 : vector<1024x128xf32>
    %jit3A = arith.constant 0.000000e+00 : f32
    %jit3A_7 = arith.constant 1.920000e+03 : f32
    %max3A = vector.broadcast %jit3A : f32 to vector<1024x128xf32>
    %max3A_8 = arith.maximumf %max3A, %add3A : vector<1024x128xf32>
    %min3A = vector.broadcast %jit3A_7 : f32 to vector<1024x128xf32>
    %min3A_9 = arith.minimumf %min3A, %max3A_8 : vector<1024x128xf32>
    %swap3A = arith.constant 0 : index
    %swap3A_10 = arith.constant 0 : index
    %swap3A_11 = arith.constant 0 : index
    %swap3A_12 = vector.load %arg11[%swap3A, %swap3A_10, %swap3A_11] : memref<1x1024x128xf32, #tpu.memory_space<vmem>>, vector<1x1024x128xf32>
    %swap3A_13 = vector.shape_cast %swap3A_12 : vector<1x1024x128xf32> to vector<1024x128xf32>
    %swap3A_14 = vector.shape_cast %min3A_9 : vector<1024x128xf32> to vector<1x1024x128xf32>
    tpu.vector_store %arg11[%swap3A, %swap3A_10, %swap3A_11], %swap3A_14 {strides = array<i32>} : memref<1x1024x128xf32, #tpu.memory_space<vmem>>, vector<1x1024x128xf32>,
    %get3A_15 = arith.constant 0 : index
    %get3A_16 = arith.constant 0 : index
    %get3A_17 = arith.constant 0 : index
    %get3A_18 = vector.load %arg3[%get3A_15, %get3A_16, %get3A_17] : memref<1x1024x128xf32, #tpu.memory_space<vmem>>, vector<1x1024x128xf32>
    %get3A_19 = vector.shape_cast %get3A_18 : vector<1x1024x128xf32> to vector<1024x128xf32>
    %get3A_20 = arith.constant 0 : index
    %get3A_21 = arith.constant 0 : index
    %get3A_22 = vector.load %arg7[%get3A_20, %get3A_21] : memref<1024x128xf32, #tpu.memory_space<vmem>>, vector<1024x128xf32>
    %add3A_23 = arith.addf %get3A_19, %get3A_22 : vector<1024x128xf32>
    %jit3A_24 = arith.constant 0.000000e+00 : f32
    %jit3A_25 = arith.constant 1.920000e+03 : f32
    %max3A_26 = vector.broadcast %jit3A_24 : f32 to vector<1024x128xf32>
    %max3A_27 = arith.maximumf %max3A_26, %add3A_23 : vector<1024x128xf32>
    %min3A_28 = vector.broadcast %jit3A_25 : f32 to vector<1024x128xf32>
    %min3A_29 = arith.minimumf %min3A_28, %max3A_27 : vector<1024x128xf32>
    %swap3A_30 = arith.constant 0 : index
    %swap3A_31 = arith.constant 0 : index
    %swap3A_32 = arith.constant 0 : index
    %swap3A_33 = vector.load %arg12[%swap3A_30, %swap3A_31, %swap3A_32] : memref<1x1024x128xf32, #tpu.memory_space<vmem>>, vector<1x1024x128xf32>
    %swap3A_34 = vector.shape_cast %swap3A_33 : vector<1x1024x128xf32> to vector<1024x128xf32>
    %swap3A_35 = vector.shape_cast %min3A_29 : vector<1024x128xf32> to vector<1x1024x128xf32>
    tpu.vector_store %arg12[%swap3A_30, %swap3A_31, %swap3A_32], %swap3A_35 {strides = array<i32>} : memref<1x1024x128xf32, #tpu.memory_space<vmem>>, vector<1x1024x128xf32>,
    %get3A_36 = arith.constant 0 : index
    %get3A_37 = arith.constant 0 : index
    %get3A_38 = arith.constant 0 : index
    %get3A_39 = vector.load %arg4[%get3A_36, %get3A_37, %get3A_38] : memref<1x1024x128xf32, #tpu.memory_space<vmem>>, vector<1x1024x128xf32>
    %get3A_40 = vector.shape_cast %get3A_39 : vector<1x1024x128xf32> to vector<1024x128xf32>
    %get3A_41 = arith.constant 0 : index
    %get3A_42 = arith.constant 0 : index
    %get3A_43 = vector.load %arg8[%get3A_41, %get3A_42] : memref<1024x128xf32, #tpu.memory_space<vmem>>, vector<1024x128xf32>
    %add3A_44 = arith.addf %get3A_40, %get3A_43 : vector<1024x128xf32>
    %jit3A_45 = arith.constant 0.000000e+00 : f32
    %jit3A_46 = arith.constant 1.920000e+03 : f32
    %max3A_47 = vector.broadcast %jit3A_45 : f32 to vector<1024x128xf32>
    %max3A_48 = arith.maximumf %max3A_47, %add3A_44 : vector<1024x128xf32>
    %min3A_49 = vector.broadcast %jit3A_46 : f32 to vector<1024x128xf32>
    %min3A_50 = arith.minimumf %min3A_49, %max3A_48 : vector<1024x128xf32>
    %swap3A_51 = arith.constant 0 : index
    %swap3A_52 = arith.constant 0 : index
    %swap3A_53 = arith.constant 0 : index
    %swap3A_54 = vector.load %arg13[%swap3A_51, %swap3A_52, %swap3A_53] : memref<1x1024x128xf32, #tpu.memory_space<vmem>>, vector<1x1024x128xf32>
    %swap3A_55 = vector.shape_cast %swap3A_54 : vector<1x1024x128xf32> to vector<1024x128xf32>
    %swap3A_56 = vector.shape_cast %min3A_50 : vector<1024x128xf32> to vector<1x1024x128xf32>
    tpu.vector_store %arg13[%swap3A_51, %swap3A_52, %swap3A_53], %swap3A_56 {strides = array<i32>} : memref<1x1024x128xf32, #tpu.memory_space<vmem>>, vector<1x1024x128xf32>,
    %get3A_57 = arith.constant 0 : index
    %get3A_58 = arith.constant 0 : index
    %get3A_59 = arith.constant 0 : index
    %get3A_60 = vector.load %arg5[%get3A_57, %get3A_58, %get3A_59] : memref<1x1024x128xf32, #tpu.memory_space<vmem>>, vector<1x1024x128xf32>
    %get3A_61 = vector.shape_cast %get3A_60 : vector<1x1024x128xf32> to vector<1024x128xf32>
    %get3A_62 = arith.constant 0 : index
    %get3A_63 = arith.constant 0 : index
    %get3A_64 = vector.load %arg9[%get3A_62, %get3A_63] : memref<1024x128xf32, #tpu.memory_space<vmem>>, vector<1024x128xf32>
    %add3A_65 = arith.addf %get3A_61, %get3A_64 : vector<1024x128xf32>
    %jit3A_66 = arith.constant 0.000000e+00 : f32
    %jit3A_67 = arith.constant 1.920000e+03 : f32
    %max3A_68 = vector.broadcast %jit3A_66 : f32 to vector<1024x128xf32>
    %max3A_69 = arith.maximumf %max3A_68, %add3A_65 : vector<1024x128xf32>
    %min3A_70 = vector.broadcast %jit3A_67 : f32 to vector<1024x128xf32>
    %min3A_71 = arith.minimumf %min3A_70, %max3A_69 : vector<1024x128xf32>
    %swap3A_72 = arith.constant 0 : index
    %swap3A_73 = arith.constant 0 : index
    %swap3A_74 = arith.constant 0 : index
    %swap3A_75 = vector.load %arg14[%swap3A_72, %swap3A_73, %swap3A_74] : memref<1x1024x128xf32, #tpu.memory_space<vmem>>, vector<1x1024x128xf32>
    %swap3A_76 = vector.shape_cast %swap3A_75 : vector<1x1024x128xf32> to vector<1024x128xf32>
    %swap3A_77 = vector.shape_cast %min3A_71 : vector<1024x128xf32> to vector<1x1024x128xf32>
    tpu.vector_store %arg14[%swap3A_72, %swap3A_73, %swap3A_74], %swap3A_77 {strides = array<i32>} : memref<1x1024x128xf32, #tpu.memory_space<vmem>>, vector<1x1024x128xf32>,
    %get3A_78 = arith.constant 0 : index
    %get3A_79 = arith.constant 0 : index
    %get3A_80 = arith.constant 0 : index
    %get3A_81 = vector.load %arg1[%get3A_78, %get3A_79, %get3A_80] : memref<1x1024x128xf32, #tpu.memory_space<vmem>>, vector<1x1024x128xf32>
    %get3A_82 = vector.shape_cast %get3A_81 : vector<1x1024x128xf32> to vector<1024x128xf32>
    %bitcast_convert_type3A = tpu.bitcast %get3A_82 : vector<1024x128xf32> -> vector<1024x128xi32>
    %shift_right_arithmetic3A = arith.constant 31 : i32
    %shift_right_arithmetic3A_83 = vector.broadcast %shift_right_arithmetic3A : i32 to vector<1024x128xi32>
    %shift_right_arithmetic3A_84 = arith.shrsi %bitcast_convert_type3A, %shift_right_arithmetic3A_83 : vector<1024x128xi32>
    %and3A = arith.constant 2147483647 : i32
    %and3A_85 = vector.broadcast %and3A : i32 to vector<1024x128xi32>
    %and3A_86 = arith.andi %shift_right_arithmetic3A_84, %and3A_85 : vector<1024x128xi32>
    %xor3A = arith.xori %bitcast_convert_type3A, %and3A_86 : vector<1024x128xi32>
    %ge3A = arith.constant 0 : i32
    %ge3A_87 = vector.broadcast %ge3A : i32 to vector<1024x128xi32>
    %ge3A_88 = arith.cmpi sge, %xor3A, %ge3A_87 : vector<1024x128xi32>
    %convert_element_type3A = arith.extui %ge3A_88 : vector<1024x128xi1> to vector<1024x128xi32>
    %reduce_sum3A = vector.shape_cast %convert_element_type3A : vector<1024x128xi32> to vector<1x1024x128xi32>
    %reduce_sum3A_89 = arith.constant dense<0> : vector<1xi32>
    %reduce_sum3A_90 = vector.multi_reduction <add>, %reduce_sum3A, %reduce_sum3A_89 [1, 2] : vector<1x1024x128xi32> to vector<1xi32>
    %reduce_sum3A_91 = vector.shape_cast %reduce_sum3A_90 : vector<1xi32> to vector<1x1x1xi32>
    %reduce_sum3A_92 = vector.extract %reduce_sum3A_91[0, 0, 0] : i32 from vector<1x1x1xi32>
    %ge3A_93 = arith.constant 3000 : i32
    %ge3A_94 = arith.cmpi sge, %reduce_sum3A_92, %ge3A_93 : i32
    %jit3A_95 = arith.constant 0 : i32
    %jit3A_96 = arith.constant -2147483648 : i32
    %select_n3A = arith.select %ge3A_94, %jit3A_95, %jit3A_96 : i32
    %scan3A = arith.constant 0 : i32
    %scan3A_97 = arith.constant 31 : i32
    %scan3A_98 = arith.addi %scan3A, %scan3A_97 : i32
    %scan3A_99 = arith.constant 1 : i32
    %scan3A_100 = scf.for %scan3A_171 = %scan3A to %scan3A_98 step %scan3A_99 iter_args(%scan3A_172 = %select_n3A) -> (i32)  : i32 {
      %sub3A_173 = arith.constant 30 : i32
      %sub3A_174 = arith.subi %sub3A_173, %scan3A_171 : i32
      %shift_left3A = arith.constant 1 : i32
      %shift_left3A_175 = arith.shli %shift_left3A, %sub3A_174 : i32
      %add3A_176 = arith.addi %scan3A_172, %shift_left3A_175 : i32
      %ge3A_177 = vector.broadcast %add3A_176 : i32 to vector<1024x128xi32>
      %ge3A_178 = arith.cmpi sge, %xor3A, %ge3A_177 : vector<1024x128xi32>
      %convert_element_type3A_179 = arith.extui %ge3A_178 : vector<1024x128xi1> to vector<1024x128xi32>
      %reduce_sum3A_180 = vector.shape_cast %convert_element_type3A_179 : vector<1024x128xi32> to vector<1x1024x128xi32>
      %reduce_sum3A_181 = arith.constant dense<0> : vector<1xi32>
      %reduce_sum3A_182 = vector.multi_reduction <add>, %reduce_sum3A_180, %reduce_sum3A_181 [1, 2] : vector<1x1024x128xi32> to vector<1xi32>
      %reduce_sum3A_183 = vector.shape_cast %reduce_sum3A_182 : vector<1xi32> to vector<1x1x1xi32>
      %reduce_sum3A_184 = vector.extract %reduce_sum3A_183[0, 0, 0] : i32 from vector<1x1x1xi32>
      %ge3A_185 = arith.constant 3000 : i32
      %ge3A_186 = arith.cmpi sge, %reduce_sum3A_184, %ge3A_185 : i32
      %select_n3A_187 = arith.select %ge3A_186, %add3A_176, %scan3A_172 : i32
      scf.yield %select_n3A_187 : i32
    }
    %scan3A_101 = arith.constant 31 : i32
    %gt3A = vector.broadcast %scan3A_100 : i32 to vector<1024x128xi32>
    %gt3A_102 = arith.cmpi sgt, %xor3A, %gt3A : vector<1024x128xi32>
    %convert_element_type3A_103 = arith.extui %gt3A_102 : vector<1024x128xi1> to vector<1024x128xi32>
    %reduce_sum3A_104 = vector.shape_cast %convert_element_type3A_103 : vector<1024x128xi32> to vector<1x1024x128xi32>
    %reduce_sum3A_105 = arith.constant dense<0> : vector<1xi32>
    %reduce_sum3A_106 = vector.multi_reduction <add>, %reduce_sum3A_104, %reduce_sum3A_105 [1, 2] : vector<1x1024x128xi32> to vector<1xi32>
    %reduce_sum3A_107 = vector.shape_cast %reduce_sum3A_106 : vector<1xi32> to vector<1x1x1xi32>
    %reduce_sum3A_108 = vector.extract %reduce_sum3A_107[0, 0, 0] : i32 from vector<1x1x1xi32>
    %sub3A = arith.constant 3000 : i32
    %sub3A_109 = arith.subi %sub3A, %reduce_sum3A_108 : i32
    %eq3A = vector.broadcast %scan3A_100 : i32 to vector<1024x128xi32>
    %eq3A_110 = arith.cmpi eq, %xor3A, %eq3A : vector<1024x128xi32>
    %iota3A = tpu.iota {dimensions = array<i32: 0>} : vector<1024x128xi32>
    %mul3A = arith.constant 128 : i32
    %mul3A_111 = vector.broadcast %mul3A : i32 to vector<1024x128xi32>
    %mul3A_112 = arith.muli %iota3A, %mul3A_111 : vector<1024x128xi32>
    %iota3A_113 = tpu.iota {dimensions = array<i32: 1>} : vector<1024x128xi32>
    %add3A_114 = arith.addi %mul3A_112, %iota3A_113 : vector<1024x128xi32>
    %scan3A_115 = arith.constant 0 : i32
    %scan3A_116 = arith.constant 0 : i32
    %scan3A_117 = arith.constant 18 : i32
    %scan3A_118 = arith.addi %scan3A_116, %scan3A_117 : i32
    %scan3A_119 = arith.constant 1 : i32
    %scan3A_120 = scf.for %scan3A_171 = %scan3A_116 to %scan3A_118 step %scan3A_119 iter_args(%scan3A_172 = %scan3A_115) -> (i32)  : i32 {
      %sub3A_173 = arith.constant 17 : i32
      %sub3A_174 = arith.subi %sub3A_173, %scan3A_171 : i32
      %shift_left3A = arith.constant 1 : i32
      %shift_left3A_175 = arith.shli %shift_left3A, %sub3A_174 : i32
      %add3A_176 = arith.addi %scan3A_172, %shift_left3A_175 : i32
      %lt3A_177 = vector.broadcast %add3A_176 : i32 to vector<1024x128xi32>
      %lt3A_178 = arith.cmpi slt, %add3A_114, %lt3A_177 : vector<1024x128xi32>
      %and3A_179 = arith.andi %eq3A_110, %lt3A_178 : vector<1024x128xi1>
      %convert_element_type3A_180 = arith.extui %and3A_179 : vector<1024x128xi1> to vector<1024x128xi32>
      %reduce_sum3A_181 = vector.shape_cast %convert_element_type3A_180 : vector<1024x128xi32> to vector<1x1024x128xi32>
      %reduce_sum3A_182 = arith.constant dense<0> : vector<1xi32>
      %reduce_sum3A_183 = vector.multi_reduction <add>, %reduce_sum3A_181, %reduce_sum3A_182 [1, 2] : vector<1x1024x128xi32> to vector<1xi32>
      %reduce_sum3A_184 = vector.shape_cast %reduce_sum3A_183 : vector<1xi32> to vector<1x1x1xi32>
      %reduce_sum3A_185 = vector.extract %reduce_sum3A_184[0, 0, 0] : i32 from vector<1x1x1xi32>
      %lt3A_186 = arith.cmpi slt, %reduce_sum3A_185, %sub3A_109 : i32
      %select_n3A_187 = arith.select %lt3A_186, %add3A_176, %scan3A_172 : i32
      scf.yield %select_n3A_187 : i32
    }
    %scan3A_121 = arith.constant 18 : i32
    %gt3A_122 = vector.broadcast %scan3A_100 : i32 to vector<1024x128xi32>
    %gt3A_123 = arith.cmpi sgt, %xor3A, %gt3A_122 : vector<1024x128xi32>
    %le3A = vector.broadcast %scan3A_120 : i32 to vector<1024x128xi32>
    %le3A_124 = arith.cmpi sle, %add3A_114, %le3A : vector<1024x128xi32>
    %and3A_125 = arith.andi %eq3A_110, %le3A_124 : vector<1024x128xi1>
    %or3A = arith.ori %gt3A_123, %and3A_125 : vector<1024x128xi1>
    %jit3A_126 = arith.constant -1.000000e+30 : f32
    %broadcast_in_dim3A = vector.broadcast %jit3A_126 : f32 to vector<1024x128xf32>
    %select_n3A_127 = arith.select %or3A, %get3A_82, %broadcast_in_dim3A : vector<1024x128xi1>, vector<1024x128xf32>
    %swap3A_128 = arith.constant 0 : index
    %swap3A_129 = arith.constant 0 : index
    %swap3A_130 = arith.constant 0 : index
    %swap3A_131 = vector.load %arg10[%swap3A_128, %swap3A_129, %swap3A_130] : memref<1x1024x128xf32, #tpu.memory_space<vmem>>, vector<1x1024x128xf32>
    %swap3A_132 = vector.shape_cast %swap3A_131 : vector<1x1024x128xf32> to vector<1024x128xf32>
    %swap3A_133 = vector.shape_cast %select_n3A_127 : vector<1024x128xf32> to vector<1x1024x128xf32>
    tpu.vector_store %arg10[%swap3A_128, %swap3A_129, %swap3A_130], %swap3A_133 {strides = array<i32>} : memref<1x1024x128xf32, #tpu.memory_space<vmem>>, vector<1x1024x128xf32>,
    %convert_element_type3A_134 = arith.extui %or3A : vector<1024x128xi1> to vector<1024x128xi32>
    %convert_element_type3A_135 = arith.sitofp %convert_element_type3A_134 : vector<1024x128xi32> to vector<1024x128xf32>
    %iota3A_136 = tpu.iota {dimensions = array<i32: 0>} : vector<128x128xi32>
    %iota3A_137 = tpu.iota {dimensions = array<i32: 1>} : vector<128x128xi32>
    %lt3A = arith.cmpi slt, %iota3A_136, %iota3A_137 : vector<128x128xi32>
    %convert_element_type3A_138 = arith.extui %lt3A : vector<128x128xi1> to vector<128x128xi32>
    %convert_element_type3A_139 = arith.sitofp %convert_element_type3A_138 : vector<128x128xi32> to vector<128x128xf32>
    %dot_general3A = arith.constant dense<0.000000e+00> : vector<1024x128xf32>
    %dot_general3A_140 = tpu.matmul %convert_element_type3A_135, %convert_element_type3A_139, %dot_general3A {dimension_numbers = #tpu.dot_dimension_numbers<[1], [0], [0], [1], [0, 0, 1, 1], [], []>, transpose_lhs_hint = false} : vector<1024x128xf32>, vector<128x128xf32>, vector<1024x128xf32> -> vector<1024x128xf32>
    %reduce_sum3A_141 = arith.constant dense<0.000000e+00> : vector<1024xf32>
    %reduce_sum3A_142 = vector.multi_reduction <add>, %convert_element_type3A_135, %reduce_sum3A_141 [1] : vector<1024x128xf32> to vector<1024xf32>
    %broadcast_in_dim3A_143 = vector.shape_cast %reduce_sum3A_142 : vector<1024xf32> to vector<1024x1xf32>
    %iota3A_144 = tpu.iota {dimensions = array<i32: 1>} : vector<1024x1024xi32>
    %iota3A_145 = tpu.iota {dimensions = array<i32: 0>} : vector<1024x1024xi32>
    %lt3A_146 = arith.cmpi slt, %iota3A_144, %iota3A_145 : vector<1024x1024xi32>
    %convert_element_type3A_147 = arith.extui %lt3A_146 : vector<1024x1024xi1> to vector<1024x1024xi32>
    %convert_element_type3A_148 = arith.sitofp %convert_element_type3A_147 : vector<1024x1024xi32> to vector<1024x1024xf32>
    %dot_general3A_149 = arith.constant dense<0.000000e+00> : vector<1024x1xf32>
    %dot_general3A_150 = tpu.matmul %convert_element_type3A_148, %broadcast_in_dim3A_143, %dot_general3A_149 {dimension_numbers = #tpu.dot_dimension_numbers<[1], [0], [0], [1], [0, 0, 1, 1], [], []>, transpose_lhs_hint = false} : vector<1024x1024xf32>, vector<1024x1xf32>, vector<1024x1xf32> -> vector<1024x1xf32>
    %add3A_151 = vector.broadcast %dot_general3A_150 : vector<1024x1xf32> to vector<1024x128xf32>
    %add3A_152 = arith.addf %dot_general3A_140, %add3A_151 : vector<1024x128xf32>
    %convert_element_type3A_153 = arith.fptosi %add3A_152 : vector<1024x128xf32> to vector<1024x128xi32>
    %mul3A_154 = arith.constant 3328 : i32
    %mul3A_155 = arith.muli %arg0, %mul3A_154 : i32
    %add3A_156 = vector.broadcast %mul3A_155 : i32 to vector<1024x128xi32>
    %add3A_157 = arith.addi %add3A_156, %convert_element_type3A_153 : vector<1024x128xi32>
    %and3A_158 = arith.constant 7 : i32
    %and3A_159 = vector.broadcast %and3A_158 : i32 to vector<1024x128xi32>
    %and3A_160 = arith.andi %add3A_114, %and3A_159 : vector<1024x128xi32>
    %add3A_161 = arith.constant 6656 : i32
    %add3A_162 = vector.broadcast %add3A_161 : i32 to vector<1024x128xi32>
    %add3A_163 = arith.addi %add3A_162, %and3A_160 : vector<1024x128xi32>
    %select_n3A_164 = arith.select %or3A, %add3A_157, %add3A_163 : vector<1024x128xi1>, vector<1024x128xi32>
    %swap3A_165 = arith.constant 0 : index
    %swap3A_166 = arith.constant 0 : index
    %swap3A_167 = arith.constant 0 : index
    %swap3A_168 = vector.load %arg15[%swap3A_165, %swap3A_166, %swap3A_167] : memref<1x1024x128xi32, #tpu.memory_space<vmem>>, vector<1x1024x128xi32>
    %swap3A_169 = vector.shape_cast %swap3A_168 : vector<1x1024x128xi32> to vector<1024x128xi32>
    %swap3A_170 = vector.shape_cast %select_n3A_164 : vector<1024x128xi32> to vector<1x1024x128xi32>
    tpu.vector_store %arg15[%swap3A_165, %swap3A_166, %swap3A_167], %swap3A_170 {strides = array<i32>} : memref<1x1024x128xi32, #tpu.memory_space<vmem>>, vector<1x1024x128xi32>,
    return
  }
  func.func @transform_0(%arg0: i32) -> (i32, i32, i32) {
    %c0_i32 = arith.constant 0 : i32
    %c0_i32_0 = arith.constant 0 : i32
    %c0_i32_1 = arith.constant 0 : i32
    return %arg0, %c0_i32, %c0_i32_0 : i32, i32, i32
  }
  func.func @transform_1(%arg0: i32) -> (i32, i32, i32) {
    %c0_i32 = arith.constant 0 : i32
    %c0_i32_0 = arith.constant 0 : i32
    %c0_i32_1 = arith.constant 0 : i32
    return %arg0, %c0_i32, %c0_i32_0 : i32, i32, i32
  }
  func.func @transform_2(%arg0: i32) -> (i32, i32, i32) {
    %c0_i32 = arith.constant 0 : i32
    %c0_i32_0 = arith.constant 0 : i32
    %c0_i32_1 = arith.constant 0 : i32
    return %arg0, %c0_i32, %c0_i32_0 : i32, i32, i32
  }
  func.func @transform_3(%arg0: i32) -> (i32, i32, i32) {
    %c0_i32 = arith.constant 0 : i32
    %c0_i32_0 = arith.constant 0 : i32
    %c0_i32_1 = arith.constant 0 : i32
    return %arg0, %c0_i32, %c0_i32_0 : i32, i32, i32
  }
  func.func @transform_4(%arg0: i32) -> (i32, i32, i32) {
    %c0_i32 = arith.constant 0 : i32
    %c0_i32_0 = arith.constant 0 : i32
    %c0_i32_1 = arith.constant 0 : i32
    return %arg0, %c0_i32, %c0_i32_0 : i32, i32, i32
  }
  func.func @transform_5(%arg0: i32) -> (i32, i32) {
    %c0_i32 = arith.constant 0 : i32
    %c0_i32_0 = arith.constant 0 : i32
    %c0_i32_1 = arith.constant 0 : i32
    return %c0_i32, %c0_i32_0 : i32, i32
  }
  func.func @transform_6(%arg0: i32) -> (i32, i32) {
    %c0_i32 = arith.constant 0 : i32
    %c0_i32_0 = arith.constant 0 : i32
    %c0_i32_1 = arith.constant 0 : i32
    return %c0_i32, %c0_i32_0 : i32, i32
  }
  func.func @transform_7(%arg0: i32) -> (i32, i32) {
    %c0_i32 = arith.constant 0 : i32
    %c0_i32_0 = arith.constant 0 : i32
    %c0_i32_1 = arith.constant 0 : i32
    return %c0_i32, %c0_i32_0 : i32, i32
  }
  func.func @transform_8(%arg0: i32) -> (i32, i32) {
    %c0_i32 = arith.constant 0 : i32
    %c0_i32_0 = arith.constant 0 : i32
    %c0_i32_1 = arith.constant 0 : i32
    return %c0_i32, %c0_i32_0 : i32, i32
  }
  func.func @transform_9(%arg0: i32) -> (i32, i32, i32) {
    %c0_i32 = arith.constant 0 : i32
    %c0_i32_0 = arith.constant 0 : i32
    %c0_i32_1 = arith.constant 0 : i32
    return %arg0, %c0_i32, %c0_i32_0 : i32, i32, i32
  }
  func.func @transform_10(%arg0: i32) -> (i32, i32, i32) {
    %c0_i32 = arith.constant 0 : i32
    %c0_i32_0 = arith.constant 0 : i32
    %c0_i32_1 = arith.constant 0 : i32
    return %arg0, %c0_i32, %c0_i32_0 : i32, i32, i32
  }
  func.func @transform_11(%arg0: i32) -> (i32, i32, i32) {
    %c0_i32 = arith.constant 0 : i32
    %c0_i32_0 = arith.constant 0 : i32
    %c0_i32_1 = arith.constant 0 : i32
    return %arg0, %c0_i32, %c0_i32_0 : i32, i32, i32
  }
  func.func @transform_12(%arg0: i32) -> (i32, i32, i32) {
    %c0_i32 = arith.constant 0 : i32
    %c0_i32_0 = arith.constant 0 : i32
    %c0_i32_1 = arith.constant 0 : i32
    return %arg0, %c0_i32, %c0_i32_0 : i32, i32, i32
  }
  func.func @transform_13(%arg0: i32) -> (i32, i32, i32) {
    %c0_i32 = arith.constant 0 : i32
    %c0_i32_0 = arith.constant 0 : i32
    %c0_i32_1 = arith.constant 0 : i32
    return %arg0, %c0_i32, %c0_i32_0 : i32, i32, i32
  }
  func.func @transform_14(%arg0: i32) -> (i32, i32, i32) {
    %c0_i32 = arith.constant 0 : i32
    %c0_i32_0 = arith.constant 0 : i32
    %c0_i32_1 = arith.constant 0 : i32
    return %arg0, %c0_i32, %c0_i32_0 : i32, i32, i32
  }
}

module attributes {stable_mosaic.version = 14 : i64} {
  func.func @_nms_body(%arg0: i32, %arg1: memref<1x26x128xf32, #tpu.memory_space<vmem>>, %arg2: memref<1x26x128xf32, #tpu.memory_space<vmem>>, %arg3: memref<1x26x128xf32, #tpu.memory_space<vmem>>, %arg4: memref<1x26x128xf32, #tpu.memory_space<vmem>>, %arg5: memref<1x26x128xf32, #tpu.memory_space<vmem>>, %arg6: memref<1x304x128xf32, #tpu.memory_space<vmem>>, %arg7: memref<26x128xf32, #tpu.memory_space<vmem>>, %arg8: memref<26x128xf32, #tpu.memory_space<vmem>>) attributes {dimension_semantics = [#tpu.dimension_semantics<parallel>], iteration_bounds = array<i64: 2>, scalar_prefetch = 0 : i64, scratch_operands = 2 : i64, tpu.core_type = #tpu.core_type<tc>, window_params = [{transform_indices = @transform_0, window_bounds = array<i64: 1, 26, 128>}, {transform_indices = @transform_1, window_bounds = array<i64: 1, 26, 128>}, {transform_indices = @transform_2, window_bounds = array<i64: 1, 26, 128>}, {transform_indices = @transform_3, window_bounds = array<i64: 1, 26, 128>}, {transform_indices = @transform_4, window_bounds = array<i64: 1, 26, 128>}, {transform_indices = @transform_5, window_bounds = array<i64: 1, 304, 128>}]} {
    %get3A = arith.constant 0 : index
    %get3A_0 = arith.constant 0 : index
    %get3A_1 = arith.constant 0 : index
    %get3A_2 = vector.load %arg1[%get3A, %get3A_0, %get3A_1] : memref<1x26x128xf32, #tpu.memory_space<vmem>>, vector<1x26x128xf32>
    %get3A_3 = vector.shape_cast %get3A_2 : vector<1x26x128xf32> to vector<26x128xf32>
    %swap3A = arith.constant 0 : index
    %swap3A_4 = arith.constant 0 : index
    %swap3A_5 = vector.load %arg8[%swap3A, %swap3A_4] : memref<26x128xf32, #tpu.memory_space<vmem>>, vector<26x128xf32>
    tpu.vector_store %arg8[%swap3A, %swap3A_4], %get3A_3 {strides = array<i32>} : memref<26x128xf32, #tpu.memory_space<vmem>>, vector<26x128xf32>,
    %get3A_6 = arith.constant 0 : index
    %get3A_7 = arith.constant 0 : index
    %get3A_8 = arith.constant 0 : index
    %get3A_9 = vector.load %arg4[%get3A_6, %get3A_7, %get3A_8] : memref<1x26x128xf32, #tpu.memory_space<vmem>>, vector<1x26x128xf32>
    %get3A_10 = vector.shape_cast %get3A_9 : vector<1x26x128xf32> to vector<26x128xf32>
    %get3A_11 = arith.constant 0 : index
    %get3A_12 = arith.constant 0 : index
    %get3A_13 = arith.constant 0 : index
    %get3A_14 = vector.load %arg2[%get3A_11, %get3A_12, %get3A_13] : memref<1x26x128xf32, #tpu.memory_space<vmem>>, vector<1x26x128xf32>
    %get3A_15 = vector.shape_cast %get3A_14 : vector<1x26x128xf32> to vector<26x128xf32>
    %sub3A = arith.subf %get3A_10, %get3A_15 : vector<26x128xf32>
    %get3A_16 = arith.constant 0 : index
    %get3A_17 = arith.constant 0 : index
    %get3A_18 = arith.constant 0 : index
    %get3A_19 = vector.load %arg5[%get3A_16, %get3A_17, %get3A_18] : memref<1x26x128xf32, #tpu.memory_space<vmem>>, vector<1x26x128xf32>
    %get3A_20 = vector.shape_cast %get3A_19 : vector<1x26x128xf32> to vector<26x128xf32>
    %get3A_21 = arith.constant 0 : index
    %get3A_22 = arith.constant 0 : index
    %get3A_23 = arith.constant 0 : index
    %get3A_24 = vector.load %arg3[%get3A_21, %get3A_22, %get3A_23] : memref<1x26x128xf32, #tpu.memory_space<vmem>>, vector<1x26x128xf32>
    %get3A_25 = vector.shape_cast %get3A_24 : vector<1x26x128xf32> to vector<26x128xf32>
    %sub3A_26 = arith.subf %get3A_20, %get3A_25 : vector<26x128xf32>
    %mul3A = arith.mulf %sub3A, %sub3A_26 : vector<26x128xf32>
    %swap3A_27 = arith.constant 0 : index
    %swap3A_28 = arith.constant 0 : index
    %swap3A_29 = vector.load %arg7[%swap3A_27, %swap3A_28] : memref<26x128xf32, #tpu.memory_space<vmem>>, vector<26x128xf32>
    tpu.vector_store %arg7[%swap3A_27, %swap3A_28], %mul3A {strides = array<i32>} : memref<26x128xf32, #tpu.memory_space<vmem>>, vector<26x128xf32>,
    %iota3A = tpu.iota {dimensions = array<i32: 0>} : vector<26x128xi32>
    %mul3A_30 = arith.constant 128 : i32
    %mul3A_31 = vector.broadcast %mul3A_30 : i32 to vector<26x128xi32>
    %mul3A_32 = arith.muli %iota3A, %mul3A_31 : vector<26x128xi32>
    %iota3A_33 = tpu.iota {dimensions = array<i32: 1>} : vector<26x128xi32>
    %add3A = arith.addi %mul3A_32, %iota3A_33 : vector<26x128xi32>
    %iota3A_34 = tpu.iota {dimensions = array<i32: 1>} : vector<1x128xi32>
    %scan3A = arith.constant 0 : i32
    %scan3A_35 = arith.constant 300 : i32
    %scan3A_36 = arith.addi %scan3A, %scan3A_35 : i32
    %scan3A_37 = arith.constant 1 : i32
    scf.for %scan3A_39 = %scan3A to %scan3A_36 step %scan3A_37  : i32 {
      %get3A_40 = arith.constant 0 : index
      %get3A_41 = arith.constant 0 : index
      %get3A_42 = vector.load %arg8[%get3A_40, %get3A_41] : memref<26x128xf32, #tpu.memory_space<vmem>>, vector<26x128xf32>
      %reduce_max3A = vector.shape_cast %get3A_42 : vector<26x128xf32> to vector<1x26x128xf32>
      %reduce_max3A_43 = arith.constant dense<0xFF800000> : vector<1xf32>
      %reduce_max3A_44 = vector.multi_reduction <maximumf>, %reduce_max3A, %reduce_max3A_43 [1, 2] : vector<1x26x128xf32> to vector<1xf32>
      %reduce_max3A_45 = vector.shape_cast %reduce_max3A_44 : vector<1xf32> to vector<1x1x1xf32>
      %reduce_max3A_46 = vector.extract %reduce_max3A_45[0, 0, 0] : f32 from vector<1x1x1xf32>
      %eq3A = vector.broadcast %reduce_max3A_46 : f32 to vector<26x128xf32>
      %eq3A_47 = arith.cmpf oeq, %get3A_42, %eq3A : vector<26x128xf32>
      %jit3A = arith.constant 1073741824 : i32
      %broadcast_in_dim3A = vector.broadcast %jit3A : i32 to vector<26x128xi32>
      %select_n3A = arith.select %eq3A_47, %add3A, %broadcast_in_dim3A : vector<26x128xi1>, vector<26x128xi32>
      %reduce_min3A = vector.shape_cast %select_n3A : vector<26x128xi32> to vector<1x26x128xi32>
      %reduce_min3A_48 = arith.constant dense<2147483647> : vector<1xi32>
      %reduce_min3A_49 = vector.multi_reduction <minsi>, %reduce_min3A, %reduce_min3A_48 [1, 2] : vector<1x26x128xi32> to vector<1xi32>
      %reduce_min3A_50 = vector.shape_cast %reduce_min3A_49 : vector<1xi32> to vector<1x1x1xi32>
      %reduce_min3A_51 = vector.extract %reduce_min3A_50[0, 0, 0] : i32 from vector<1x1x1xi32>
      %gt3A = arith.constant -1.000000e+30 : f32
      %gt3A_52 = arith.cmpf ogt, %reduce_max3A_46, %gt3A : f32
      %jit3A_53 = arith.constant 128 : i32
      %div3A = arith.divsi %reduce_min3A_51, %jit3A_53 : i32
      %sign3A = arith.constant 0 : i32
      %sign3A_54 = arith.cmpi sgt, %reduce_min3A_51, %sign3A : i32
      %sign3A_55 = arith.extui %sign3A_54 : i1 to i32
      %sign3A_56 = arith.constant 0 : i32
      %sign3A_57 = arith.cmpi slt, %reduce_min3A_51, %sign3A_56 : i32
      %sign3A_58 = arith.extui %sign3A_57 : i1 to i32
      %sign3A_59 = arith.subi %sign3A_55, %sign3A_58 : i32
      %sign3A_60 = arith.constant 0 : i32
      %sign3A_61 = arith.cmpi sgt, %jit3A_53, %sign3A_60 : i32
      %sign3A_62 = arith.extui %sign3A_61 : i1 to i32
      %sign3A_63 = arith.constant 0 : i32
      %sign3A_64 = arith.cmpi slt, %jit3A_53, %sign3A_63 : i32
      %sign3A_65 = arith.extui %sign3A_64 : i1 to i32
      %sign3A_66 = arith.subi %sign3A_62, %sign3A_65 : i32
      %ne3A = arith.cmpi ne, %sign3A_59, %sign3A_66 : i32
      %rem3A = arith.remsi %reduce_min3A_51, %jit3A_53 : i32
      %ne3A_67 = arith.constant 0 : i32
      %ne3A_68 = arith.cmpi ne, %rem3A, %ne3A_67 : i32
      %and3A = arith.andi %ne3A, %ne3A_68 : i1
      %sub3A_69 = arith.constant 1 : i32
      %sub3A_70 = arith.subi %div3A, %sub3A_69 : i32
      %select_n3A_71 = arith.select %and3A, %sub3A_70, %div3A : i32
      %jit3A_72 = arith.constant 128 : i32
      %eq3A_73 = arith.constant 0 : i32
      %eq3A_74 = arith.cmpi eq, %jit3A_72, %eq3A_73 : i32
      %jit3A_75 = arith.constant 1 : i32
      %select_n3A_76 = arith.select %eq3A_74, %jit3A_75, %jit3A_72 : i32
      %rem3A_77 = arith.remsi %reduce_min3A_51, %select_n3A_76 : i32
      %ne3A_78 = arith.constant 0 : i32
      %ne3A_79 = arith.cmpi ne, %rem3A_77, %ne3A_78 : i32
      %lt3A = arith.constant 0 : i32
      %lt3A_80 = arith.cmpi slt, %rem3A_77, %lt3A : i32
      %lt3A_81 = arith.constant 0 : i32
      %lt3A_82 = arith.cmpi slt, %select_n3A_76, %lt3A_81 : i32
      %ne3A_83 = arith.xori %lt3A_80, %lt3A_82 : i1
      %and3A_84 = arith.andi %ne3A_83, %ne3A_79 : i1
      %add3A_85 = arith.addi %rem3A_77, %select_n3A_76 : i32
      %select_n3A_86 = arith.select %and3A_84, %add3A_85, %rem3A_77 : i32
      %get3A_87 = arith.constant 0 : index
      %get3A_88 = arith.index_cast %select_n3A_71 : i32 to index
      %get3A_89 = arith.constant 0 : index
      %get3A_90 = vector.load %arg2[%get3A_87, %get3A_88, %get3A_89] : memref<1x26x128xf32, #tpu.memory_space<vmem>>, vector<1x1x128xf32>
      %get3A_91 = vector.shape_cast %get3A_90 : vector<1x1x128xf32> to vector<1x128xf32>
      %eq3A_92 = vector.broadcast %select_n3A_86 : i32 to vector<1x128xi32>
      %eq3A_93 = arith.cmpi eq, %iota3A_34, %eq3A_92 : vector<1x128xi32>
      %jit3A_94 = arith.constant 0.000000e+00 : f32
      %broadcast_in_dim3A_95 = vector.broadcast %jit3A_94 : f32 to vector<1x128xf32>
      %select_n3A_96 = arith.select %eq3A_93, %get3A_91, %broadcast_in_dim3A_95 : vector<1x128xi1>, vector<1x128xf32>
      %reduce_sum3A = vector.shape_cast %select_n3A_96 : vector<1x128xf32> to vector<1x1x128xf32>
      %reduce_sum3A_97 = arith.constant dense<0.000000e+00> : vector<1xf32>
      %reduce_sum3A_98 = vector.multi_reduction <add>, %reduce_sum3A, %reduce_sum3A_97 [1, 2] : vector<1x1x128xf32> to vector<1xf32>
      %reduce_sum3A_99 = vector.shape_cast %reduce_sum3A_98 : vector<1xf32> to vector<1x1x1xf32>
      %reduce_sum3A_100 = vector.extract %reduce_sum3A_99[0, 0, 0] : f32 from vector<1x1x1xf32>
      %get3A_101 = arith.constant 0 : index
      %get3A_102 = arith.index_cast %select_n3A_71 : i32 to index
      %get3A_103 = arith.constant 0 : index
      %get3A_104 = vector.load %arg3[%get3A_101, %get3A_102, %get3A_103] : memref<1x26x128xf32, #tpu.memory_space<vmem>>, vector<1x1x128xf32>
      %get3A_105 = vector.shape_cast %get3A_104 : vector<1x1x128xf32> to vector<1x128xf32>
      %eq3A_106 = vector.broadcast %select_n3A_86 : i32 to vector<1x128xi32>
      %eq3A_107 = arith.cmpi eq, %iota3A_34, %eq3A_106 : vector<1x128xi32>
      %jit3A_108 = arith.constant 0.000000e+00 : f32
      %broadcast_in_dim3A_109 = vector.broadcast %jit3A_108 : f32 to vector<1x128xf32>
      %select_n3A_110 = arith.select %eq3A_107, %get3A_105, %broadcast_in_dim3A_109 : vector<1x128xi1>, vector<1x128xf32>
      %reduce_sum3A_111 = vector.shape_cast %select_n3A_110 : vector<1x128xf32> to vector<1x1x128xf32>
      %reduce_sum3A_112 = arith.constant dense<0.000000e+00> : vector<1xf32>
      %reduce_sum3A_113 = vector.multi_reduction <add>, %reduce_sum3A_111, %reduce_sum3A_112 [1, 2] : vector<1x1x128xf32> to vector<1xf32>
      %reduce_sum3A_114 = vector.shape_cast %reduce_sum3A_113 : vector<1xf32> to vector<1x1x1xf32>
      %reduce_sum3A_115 = vector.extract %reduce_sum3A_114[0, 0, 0] : f32 from vector<1x1x1xf32>
      %get3A_116 = arith.constant 0 : index
      %get3A_117 = arith.index_cast %select_n3A_71 : i32 to index
      %get3A_118 = arith.constant 0 : index
      %get3A_119 = vector.load %arg4[%get3A_116, %get3A_117, %get3A_118] : memref<1x26x128xf32, #tpu.memory_space<vmem>>, vector<1x1x128xf32>
      %get3A_120 = vector.shape_cast %get3A_119 : vector<1x1x128xf32> to vector<1x128xf32>
      %eq3A_121 = vector.broadcast %select_n3A_86 : i32 to vector<1x128xi32>
      %eq3A_122 = arith.cmpi eq, %iota3A_34, %eq3A_121 : vector<1x128xi32>
      %jit3A_123 = arith.constant 0.000000e+00 : f32
      %broadcast_in_dim3A_124 = vector.broadcast %jit3A_123 : f32 to vector<1x128xf32>
      %select_n3A_125 = arith.select %eq3A_122, %get3A_120, %broadcast_in_dim3A_124 : vector<1x128xi1>, vector<1x128xf32>
      %reduce_sum3A_126 = vector.shape_cast %select_n3A_125 : vector<1x128xf32> to vector<1x1x128xf32>
      %reduce_sum3A_127 = arith.constant dense<0.000000e+00> : vector<1xf32>
      %reduce_sum3A_128 = vector.multi_reduction <add>, %reduce_sum3A_126, %reduce_sum3A_127 [1, 2] : vector<1x1x128xf32> to vector<1xf32>
      %reduce_sum3A_129 = vector.shape_cast %reduce_sum3A_128 : vector<1xf32> to vector<1x1x1xf32>
      %reduce_sum3A_130 = vector.extract %reduce_sum3A_129[0, 0, 0] : f32 from vector<1x1x1xf32>
      %get3A_131 = arith.constant 0 : index
      %get3A_132 = arith.index_cast %select_n3A_71 : i32 to index
      %get3A_133 = arith.constant 0 : index
      %get3A_134 = vector.load %arg5[%get3A_131, %get3A_132, %get3A_133] : memref<1x26x128xf32, #tpu.memory_space<vmem>>, vector<1x1x128xf32>
      %get3A_135 = vector.shape_cast %get3A_134 : vector<1x1x128xf32> to vector<1x128xf32>
      %eq3A_136 = vector.broadcast %select_n3A_86 : i32 to vector<1x128xi32>
      %eq3A_137 = arith.cmpi eq, %iota3A_34, %eq3A_136 : vector<1x128xi32>
      %jit3A_138 = arith.constant 0.000000e+00 : f32
      %broadcast_in_dim3A_139 = vector.broadcast %jit3A_138 : f32 to vector<1x128xf32>
      %select_n3A_140 = arith.select %eq3A_137, %get3A_135, %broadcast_in_dim3A_139 : vector<1x128xi1>, vector<1x128xf32>
      %reduce_sum3A_141 = vector.shape_cast %select_n3A_140 : vector<1x128xf32> to vector<1x1x128xf32>
      %reduce_sum3A_142 = arith.constant dense<0.000000e+00> : vector<1xf32>
      %reduce_sum3A_143 = vector.multi_reduction <add>, %reduce_sum3A_141, %reduce_sum3A_142 [1, 2] : vector<1x1x128xf32> to vector<1xf32>
      %reduce_sum3A_144 = vector.shape_cast %reduce_sum3A_143 : vector<1xf32> to vector<1x1x1xf32>
      %reduce_sum3A_145 = vector.extract %reduce_sum3A_144[0, 0, 0] : f32 from vector<1x1x1xf32>
      %get3A_146 = arith.index_cast %select_n3A_71 : i32 to index
      %get3A_147 = arith.constant 0 : index
      %get3A_148 = vector.load %arg7[%get3A_146, %get3A_147] : memref<26x128xf32, #tpu.memory_space<vmem>>, vector<1x128xf32>
      %eq3A_149 = vector.broadcast %select_n3A_86 : i32 to vector<1x128xi32>
      %eq3A_150 = arith.cmpi eq, %iota3A_34, %eq3A_149 : vector<1x128xi32>
      %jit3A_151 = arith.constant 0.000000e+00 : f32
      %broadcast_in_dim3A_152 = vector.broadcast %jit3A_151 : f32 to vector<1x128xf32>
      %select_n3A_153 = arith.select %eq3A_150, %get3A_148, %broadcast_in_dim3A_152 : vector<1x128xi1>, vector<1x128xf32>
      %reduce_sum3A_154 = vector.shape_cast %select_n3A_153 : vector<1x128xf32> to vector<1x1x128xf32>
      %reduce_sum3A_155 = arith.constant dense<0.000000e+00> : vector<1xf32>
      %reduce_sum3A_156 = vector.multi_reduction <add>, %reduce_sum3A_154, %reduce_sum3A_155 [1, 2] : vector<1x1x128xf32> to vector<1xf32>
      %reduce_sum3A_157 = vector.shape_cast %reduce_sum3A_156 : vector<1xf32> to vector<1x1x1xf32>
      %reduce_sum3A_158 = vector.extract %reduce_sum3A_157[0, 0, 0] : f32 from vector<1x1x1xf32>
      %get3A_159 = arith.constant 0 : index
      %get3A_160 = arith.constant 0 : index
      %get3A_161 = arith.constant 0 : index
      %get3A_162 = vector.load %arg2[%get3A_159, %get3A_160, %get3A_161] : memref<1x26x128xf32, #tpu.memory_space<vmem>>, vector<1x26x128xf32>
      %get3A_163 = vector.shape_cast %get3A_162 : vector<1x26x128xf32> to vector<26x128xf32>
      %max3A = vector.broadcast %reduce_sum3A_100 : f32 to vector<26x128xf32>
      %max3A_164 = arith.maximumf %get3A_163, %max3A : vector<26x128xf32>
      %get3A_165 = arith.constant 0 : index
      %get3A_166 = arith.constant 0 : index
      %get3A_167 = arith.constant 0 : index
      %get3A_168 = vector.load %arg3[%get3A_165, %get3A_166, %get3A_167] : memref<1x26x128xf32, #tpu.memory_space<vmem>>, vector<1x26x128xf32>
      %get3A_169 = vector.shape_cast %get3A_168 : vector<1x26x128xf32> to vector<26x128xf32>
      %max3A_170 = vector.broadcast %reduce_sum3A_115 : f32 to vector<26x128xf32>
      %max3A_171 = arith.maximumf %get3A_169, %max3A_170 : vector<26x128xf32>
      %get3A_172 = arith.constant 0 : index
      %get3A_173 = arith.constant 0 : index
      %get3A_174 = arith.constant 0 : index
      %get3A_175 = vector.load %arg4[%get3A_172, %get3A_173, %get3A_174] : memref<1x26x128xf32, #tpu.memory_space<vmem>>, vector<1x26x128xf32>
      %get3A_176 = vector.shape_cast %get3A_175 : vector<1x26x128xf32> to vector<26x128xf32>
      %min3A = vector.broadcast %reduce_sum3A_130 : f32 to vector<26x128xf32>
      %min3A_177 = arith.minimumf %get3A_176, %min3A : vector<26x128xf32>
      %get3A_178 = arith.constant 0 : index
      %get3A_179 = arith.constant 0 : index
      %get3A_180 = arith.constant 0 : index
      %get3A_181 = vector.load %arg5[%get3A_178, %get3A_179, %get3A_180] : memref<1x26x128xf32, #tpu.memory_space<vmem>>, vector<1x26x128xf32>
      %get3A_182 = vector.shape_cast %get3A_181 : vector<1x26x128xf32> to vector<26x128xf32>
      %min3A_183 = vector.broadcast %reduce_sum3A_145 : f32 to vector<26x128xf32>
      %min3A_184 = arith.minimumf %get3A_182, %min3A_183 : vector<26x128xf32>
      %sub3A_185 = arith.subf %min3A_177, %max3A_164 : vector<26x128xf32>
      %max3A_186 = arith.constant 0.000000e+00 : f32
      %max3A_187 = vector.broadcast %max3A_186 : f32 to vector<26x128xf32>
      %max3A_188 = arith.maximumf %sub3A_185, %max3A_187 : vector<26x128xf32>
      %sub3A_189 = arith.subf %min3A_184, %max3A_171 : vector<26x128xf32>
      %max3A_190 = arith.constant 0.000000e+00 : f32
      %max3A_191 = vector.broadcast %max3A_190 : f32 to vector<26x128xf32>
      %max3A_192 = arith.maximumf %sub3A_189, %max3A_191 : vector<26x128xf32>
      %mul3A_193 = arith.mulf %max3A_188, %max3A_192 : vector<26x128xf32>
      %get3A_194 = arith.constant 0 : index
      %get3A_195 = arith.constant 0 : index
      %get3A_196 = vector.load %arg7[%get3A_194, %get3A_195] : memref<26x128xf32, #tpu.memory_space<vmem>>, vector<26x128xf32>
      %add3A_197 = vector.broadcast %reduce_sum3A_158 : f32 to vector<26x128xf32>
      %add3A_198 = arith.addf %get3A_196, %add3A_197 : vector<26x128xf32>
      %sub3A_199 = arith.subf %add3A_198, %mul3A_193 : vector<26x128xf32>
      %add3A_200 = arith.constant 9.99999971E-10 : f32
      %add3A_201 = vector.broadcast %add3A_200 : f32 to vector<26x128xf32>
      %add3A_202 = arith.addf %sub3A_199, %add3A_201 : vector<26x128xf32>
      %div3A_203 = arith.divf %mul3A_193, %add3A_202 : vector<26x128xf32>
      %gt3A_204 = arith.constant 5.000000e-01 : f32
      %gt3A_205 = vector.broadcast %gt3A_204 : f32 to vector<26x128xf32>
      %gt3A_206 = arith.cmpf ogt, %div3A_203, %gt3A_205 : vector<26x128xf32>
      %eq3A_207 = vector.broadcast %reduce_min3A_51 : i32 to vector<26x128xi32>
      %eq3A_208 = arith.cmpi eq, %add3A, %eq3A_207 : vector<26x128xi32>
      %or3A = arith.ori %gt3A_206, %eq3A_208 : vector<26x128xi1>
      %jit3A_209 = arith.constant -1.000000e+30 : f32
      %broadcast_in_dim3A_210 = vector.broadcast %jit3A_209 : f32 to vector<26x128xf32>
      %select_n3A_211 = arith.select %or3A, %broadcast_in_dim3A_210, %get3A_42 : vector<26x128xi1>, vector<26x128xf32>
      %swap3A_212 = arith.constant 0 : index
      %swap3A_213 = arith.constant 0 : index
      %swap3A_214 = vector.load %arg8[%swap3A_212, %swap3A_213] : memref<26x128xf32, #tpu.memory_space<vmem>>, vector<26x128xf32>
      tpu.vector_store %arg8[%swap3A_212, %swap3A_213], %select_n3A_211 {strides = array<i32>} : memref<26x128xf32, #tpu.memory_space<vmem>>, vector<26x128xf32>,
      %jit3A_215 = arith.constant 0.000000e+00 : f32
      %select_n3A_216 = arith.select %gt3A_52, %reduce_sum3A_100, %jit3A_215 : f32
      %jit3A_217 = arith.constant 0.000000e+00 : f32
      %select_n3A_218 = arith.select %gt3A_52, %reduce_sum3A_115, %jit3A_217 : f32
      %jit3A_219 = arith.constant 0.000000e+00 : f32
      %select_n3A_220 = arith.select %gt3A_52, %reduce_sum3A_130, %jit3A_219 : f32
      %jit3A_221 = arith.constant 0.000000e+00 : f32
      %select_n3A_222 = arith.select %gt3A_52, %reduce_sum3A_145, %jit3A_221 : f32
      %jit3A_223 = arith.constant 0.000000e+00 : f32
      %select_n3A_224 = arith.select %gt3A_52, %reduce_max3A_46, %jit3A_223 : f32
      %eq3A_225 = arith.constant 0 : i32
      %eq3A_226 = vector.broadcast %eq3A_225 : i32 to vector<1x128xi32>
      %eq3A_227 = arith.cmpi eq, %iota3A_34, %eq3A_226 : vector<1x128xi32>
      %eq3A_228 = arith.constant 1 : i32
      %eq3A_229 = vector.broadcast %eq3A_228 : i32 to vector<1x128xi32>
      %eq3A_230 = arith.cmpi eq, %iota3A_34, %eq3A_229 : vector<1x128xi32>
      %eq3A_231 = arith.constant 2 : i32
      %eq3A_232 = vector.broadcast %eq3A_231 : i32 to vector<1x128xi32>
      %eq3A_233 = arith.cmpi eq, %iota3A_34, %eq3A_232 : vector<1x128xi32>
      %eq3A_234 = arith.constant 3 : i32
      %eq3A_235 = vector.broadcast %eq3A_234 : i32 to vector<1x128xi32>
      %eq3A_236 = arith.cmpi eq, %iota3A_34, %eq3A_235 : vector<1x128xi32>
      %eq3A_237 = arith.constant 4 : i32
      %eq3A_238 = vector.broadcast %eq3A_237 : i32 to vector<1x128xi32>
      %eq3A_239 = arith.cmpi eq, %iota3A_34, %eq3A_238 : vector<1x128xi32>
      %jit3A_240 = arith.constant 0.000000e+00 : f32
      %broadcast_in_dim3A_241 = vector.broadcast %select_n3A_224 : f32 to vector<1x128xf32>
      %broadcast_in_dim3A_242 = vector.broadcast %jit3A_240 : f32 to vector<1x128xf32>
      %select_n3A_243 = arith.select %eq3A_239, %broadcast_in_dim3A_241, %broadcast_in_dim3A_242 : vector<1x128xi1>, vector<1x128xf32>
      %broadcast_in_dim3A_244 = vector.broadcast %select_n3A_222 : f32 to vector<1x128xf32>
      %select_n3A_245 = arith.select %eq3A_236, %broadcast_in_dim3A_244, %select_n3A_243 : vector<1x128xi1>, vector<1x128xf32>
      %broadcast_in_dim3A_246 = vector.broadcast %select_n3A_220 : f32 to vector<1x128xf32>
      %select_n3A_247 = arith.select %eq3A_233, %broadcast_in_dim3A_246, %select_n3A_245 : vector<1x128xi1>, vector<1x128xf32>
      %broadcast_in_dim3A_248 = vector.broadcast %select_n3A_218 : f32 to vector<1x128xf32>
      %select_n3A_249 = arith.select %eq3A_230, %broadcast_in_dim3A_248, %select_n3A_247 : vector<1x128xi1>, vector<1x128xf32>
      %broadcast_in_dim3A_250 = vector.broadcast %select_n3A_216 : f32 to vector<1x128xf32>
      %select_n3A_251 = arith.select %eq3A_227, %broadcast_in_dim3A_250, %select_n3A_249 : vector<1x128xi1>, vector<1x128xf32>
      %swap3A_252 = arith.constant 0 : index
      %swap3A_253 = arith.index_cast %scan3A_39 : i32 to index
      %swap3A_254 = arith.constant 0 : index
      %swap3A_255 = vector.load %arg6[%swap3A_252, %swap3A_253, %swap3A_254] : memref<1x304x128xf32, #tpu.memory_space<vmem>>, vector<1x1x128xf32>
      %swap3A_256 = vector.shape_cast %swap3A_255 : vector<1x1x128xf32> to vector<1x128xf32>
      %swap3A_257 = vector.shape_cast %select_n3A_251 : vector<1x128xf32> to vector<1x1x128xf32>
      tpu.vector_store %arg6[%swap3A_252, %swap3A_253, %swap3A_254], %swap3A_257 {strides = array<i32>} : memref<1x304x128xf32, #tpu.memory_space<vmem>>, vector<1x1x128xf32>,
    }
    %scan3A_38 = arith.constant 300 : i32
    return
  }
  func.func @transform_0(%arg0: i32) -> (i32, i32, i32) {
    %c0_i32 = arith.constant 0 : i32
    %c0_i32_0 = arith.constant 0 : i32
    %c0_i32_1 = arith.constant 0 : i32
    return %arg0, %c0_i32, %c0_i32_0 : i32, i32, i32
  }
  func.func @transform_1(%arg0: i32) -> (i32, i32, i32) {
    %c0_i32 = arith.constant 0 : i32
    %c0_i32_0 = arith.constant 0 : i32
    %c0_i32_1 = arith.constant 0 : i32
    return %arg0, %c0_i32, %c0_i32_0 : i32, i32, i32
  }
  func.func @transform_2(%arg0: i32) -> (i32, i32, i32) {
    %c0_i32 = arith.constant 0 : i32
    %c0_i32_0 = arith.constant 0 : i32
    %c0_i32_1 = arith.constant 0 : i32
    return %arg0, %c0_i32, %c0_i32_0 : i32, i32, i32
  }
  func.func @transform_3(%arg0: i32) -> (i32, i32, i32) {
    %c0_i32 = arith.constant 0 : i32
    %c0_i32_0 = arith.constant 0 : i32
    %c0_i32_1 = arith.constant 0 : i32
    return %arg0, %c0_i32, %c0_i32_0 : i32, i32, i32
  }
  func.func @transform_4(%arg0: i32) -> (i32, i32, i32) {
    %c0_i32 = arith.constant 0 : i32
    %c0_i32_0 = arith.constant 0 : i32
    %c0_i32_1 = arith.constant 0 : i32
    return %arg0, %c0_i32, %c0_i32_0 : i32, i32, i32
  }
  func.func @transform_5(%arg0: i32) -> (i32, i32, i32) {
    %c0_i32 = arith.constant 0 : i32
    %c0_i32_0 = arith.constant 0 : i32
    %c0_i32_1 = arith.constant 0 : i32
    return %arg0, %c0_i32, %c0_i32_0 : i32, i32, i32
  }
}

</mosaic_0001>

<sc_bundles>
// kernel: kernel.5.cloned.1.call-start
scs
__scs_entry_jumppad:
0x0: {  	(pc) =	sbr.rel $0x88, $3  }
0x1: {  	(tag) =	ssettag $0x0;
	lr =	simm.s32 $0x1  }
0x2: {  	[smem:$0x3F9F] =	sst lr;
	_ =	strace $0xD0000000  }
0x3: {  	_ = 	snop  }
0x4: {  	_ = 	snop  }
0x5: {  	_ = 	snop  }
0x6: {  	_ = 	snop  }
0x7: {  	_ = 	snop  }
__scs_overlays_trampoline_lowered:
0x8: {  	[smem:$0x3FAE] =	sst s0  }
0x9: {  	[smem:$0x3FAF] =	sst s1  }
0xa: {  	[smem:$0x3FB0] =	sst s2  }
0xb: {  	[smem:$0x3FB1] =	sst s3  }
0xc: {  	[smem:$0x3FB2] =	sst s4  }
0xd: {  	[smem:$0x3FB3] =	sst s5  }
0xe: {  	[smem:$0x3FB4] =	sst s6  }
0xf: {  	[smem:$0x3FB5] =	sst s7  }
0x10: {  	[smem:$0x3FB6] =	sst s8  }
0x11: {  	[smem:$0x3FB7] =	sst s9;
	s0 =	simm.s32 @!p0 $0x0  }
0x12: {  	s1 =	sld [smem:$0x3F9D];
	s0 =	simm.s32 @p0 $0x1  }
0x13: {  	[smem:$0x3FB8] =	sst s0;
	s0 =	simm.s32 @!p1 $0x0  }
0x14: {  	s2 =	sld [smem:$0x3F9C];
	s0 =	simm.s32 @p1 $0x1  }
0x15: {  	[smem:$0x3FB9] =	sst s0;
	s0 =	simm.s32 @!p2 $0x0  }
0x16: {  	s3 =	sld [smem:$0x3FDB];
	s0 =	simm.s32 @p2 $0x1  }
0x17: {  	s4 =	simm.s32 $0x1BF5;
	[smem:$0x3FBB] =	sst s0  }
0x18: {  	s0 =	sld [smem:$0x3F9E];
	_ =	swait.ge [sflag:s4], $0x0  }
0x19: {  	s7 =	sld [smem:$0x3F9F]  }
0x1a: {  	s8 =	sadd.s32 $0xFFFFE003, lr  }
0x1b: {  	s9 =	sadd.s32 $0xFFFFFEF7, lr;
	s5 =	simm.s32 $0xFFFFFFFF;
	p2 =	slt.u32 s8, $0xFFFFF086  }
0x1c: {  	p1 =	slt.u32 s9, $0xF7A;
	s5 =	simm.s32 @!p2 $0x0  }
0x1d: {  	s5 =	simm.s32 @p1 $0x1;
	p0 =	seq.s32 s7, s2  }
0x1e: {  	s7 =	smul.u32 @!p0 $0xF7A, s2;
	p2 =	seq.s32 @!p0 s5, $0x0  }
0x1f: {  	s9 =	smul.u32 $0xF7A, s1;
	s8 =	simm.s32 @!p0 $0x1BF5;
	p2 =	por !p2, p0  }
0x20: {  	[sflag:s8] =	ssyncset.s32 @!p0 $0xFFFFF086;
	s6 =	sadd.s32 @!p0 s3, s7;
	s7 =	simm.s32 @!p0 $0x108  }
0x21: {  	s3 =	sadd.s32 s3, s9;
	s6 =	sadd.s32 @!p0 $0x88, s6;
	s7 =	simm.s32 @p2 $0x1082  }
0x22: {  	[simem:s7], [sflag:s8] =	dma.local @!p0 [hbm:s6], $0xF7A  }
0x23: {  	s9 =	sor.u32 $0xD0000000, s2;
	s6 =	simm.s32 $0x108;
	_ =	swait.ge @!p0 [sflag:s8], $0x0  }
0x24: {  	s3 =	sadd.s32 $0x88, s3;
	s6 =	simm.s32 @!p1 $0x1082;
	[sflag:s4] =	ssyncset.s32 $0xFFFFF086  }
0x25: {  	[simem:s6], [sflag:s4] =	dma.local [hbm:s3], $0xF7A  }
0x26: {  	[smem:$0x3F9F] =	sst s1;
	(tag) =	ssettag s2;
	_ =	strace s9  }
0x27: {  	s1 =	sld [smem:$0x3FAF]  }
0x28: {  	s2 =	sld [smem:$0x3FB0]  }
0x29: {  	s4 =	sld [smem:$0x3FB2]  }
0x2a: {  	p0 =	seq.s32 s5, $0x0;
	s5 =	sld [smem:$0x3FB3]  }
0x2b: {  	s6 =	sld [smem:$0x3FB4]  }
0x2c: {  	s7 =	sld [smem:$0x3FB5]  }
0x2d: {  	s3 =	simm.s32 $0x108;
	s8 =	sld [smem:$0x3FB6]  }
0x2e: {  	s3 =	simm.s32 @!p0 $0x1082;
	s9 =	sld [smem:$0x3FB7]  }
0x2f: {  	lr =	sadd.s32 s0, s3;
	s0 =	sld [smem:$0x3FAE]  }
0x30: {  	s3 =	sld [smem:$0x3FB1]  }
0x31: {  	[smem:$0x3FBA] =	sst s10  }
0x32: {  	s10 =	sld [smem:$0x3FB8];
	_ =	sdelay $0x3  }
0x33: {  	p0 =	seq.s32 s10, $0x1;
	s10 =	sld [smem:$0x3FBA];
	_ =	sdelay $0x3  }
0x34: {  	[smem:$0x3FBA] =	sst s10  }
0x35: {  	s10 =	sld [smem:$0x3FB9];
	_ =	sdelay $0x3  }
0x36: {  	p1 =	seq.s32 s10, $0x1;
	s10 =	sld [smem:$0x3FBA];
	_ =	sdelay $0x3  }
0x37: {  	[smem:$0x3FBA] =	sst s10  }
0x38: {  	s10 =	sld [smem:$0x3FBB]  }
0x39: {  	_ = 	snop;
	(pc) =	sbr.ind lr, $3  }
0x3a: {  	_ = 	snop  }
0x3b: {  	_ = 	snop  }
0x3c: {  	p2 =	seq.s32 s10, $0x1;
	s10 =	sld [smem:$0x3FBA]  }
0x3d: {  	_ =	shalt  }
0x3e: {  	_ =	shalt  }
0x3f: {  	_ =	shalt  }
0x40: {  	_ =	shalt  }
0x41: {  	_ =	shalt  }
0x42: {  	_ =	shalt  }
0x43: {  	_ =	shalt  }
0x44: {  	_ =	shalt  }
0x45: {  	_ =	shalt  }
0x46: {  	_ =	shalt  }
0x47: {  	_ =	shalt  }
0x48: {  	_ =	shalt  }
0x49: {  	_ =	shalt  }
0x4a: {  	_ =	shalt  }
0x4b: {  	_ =	shalt  }
0x4c: {  	_ =	shalt  }
0x4d: {  	_ =	shalt  }
0x4e: {  	_ =	shalt  }
0x4f: {  	_ =	shalt  }
0x50: {  	_ =	shalt  }
0x51: {  	_ =	shalt  }
0x52: {  	_ =	shalt  }
0x53: {  	_ =	shalt  }
0x54: {  	_ =	shalt  }
0x55: {  	_ =	shalt  }
0x56: {  	_ =	shalt  }
0x57: {  	_ =	shalt  }
0x58: {  	_ =	shalt  }
0x59: {  	_ =	shalt  }
0x5a: {  	_ =	shalt  }
0x5b: {  	_ =	shalt  }
0x5c: {  	_ =	shalt  }
0x5d: {  	_ =	shalt  }
0x5e: {  	_ =	shalt  }
0x5f: {  	_ =	shalt  }
0x60: {  	_ =	shalt  }
0x61: {  	_ =	shalt  }
0x62: {  	_ =	shalt  }
0x63: {  	_ =	shalt  }
0x64: {  	_ =	shalt  }
0x65: {  	_ =	shalt  }
0x66: {  	_ =	shalt  }
0x67: {  	_ =	shalt  }
0x68: {  	_ =	shalt  }
0x69: {  	_ =	shalt  }
0x6a: {  	_ =	shalt  }
0x6b: {  	_ =	shalt  }
0x6c: {  	_ =	shalt  }
0x6d: {  	_ =	shalt  }
0x6e: {  	_ =	shalt  }
0x6f: {  	_ =	shalt  }
0x70: {  	_ =	shalt  }
0x71: {  	_ =	shalt  }
0x72: {  	_ =	shalt  }
0x73: {  	_ =	shalt  }
0x74: {  	_ =	shalt  }
0x75: {  	_ =	shalt  }
0x76: {  	_ =	shalt  }
0x77: {  	_ =	shalt  }
0x78: {  	_ =	shalt  }
0x79: {  	_ =	shalt  }
0x7a: {  	_ =	shalt  }
0x7b: {  	_ =	shalt  }
0x7c: {  	_ =	shalt  }
0x7d: {  	_ =	shalt  }
0x7e: {  	_ =	shalt  }
0x7f: {  	_ =	shalt  }
0x80: {  	_ =	shalt  }
0x81: {  	_ =	shalt  }
0x82: {  	_ =	shalt  }
0x83: {  	_ =	shalt  }
0x84: {  	_ =	shalt  }
0x85: {  	_ =	shalt  }
0x86: {  	_ =	shalt  }
0x87: {  	_ =	shalt  }
.Lfunc_end0:
.L_simem_size_0:
called_computation_lowered:
.L_overlay_start_0:
0x88: {  	s2 =	sld [smem:$0x3FD9]  }
0x89: {  	s3 =	sld [smem:$0x3FFE];
	_ =	sdelay $0x1  }
0x8a: {  	s1 =	srdreg.scid  }
0x8b: {  	s0 =	sand.u32 $0x1, s1  }
0x8c: {  	s16 =	sshll.u32 s0, $0xA;
	s2 =	sadd.s32 s3, s2  }
0x8d: {  	s2 =	sadd.s32 s2, s16  }
0x8e: {  	[smem:$0x3FC6] =	sst s2  }
0x8f: {  	_ = 	snop  }
0x90: {  	(tm) =	ssettm $0x1  }
0x91: {  	s17 =	sld [smem:$0x3FFB];
	_ =	sdelay $0x3  }
0x92: {  	_ =	strace s17  }
0x93: {  	s2 =	sld [smem:$0x3FFC];
	_ =	sdelay $0x3  }
0x94: {  	_ =	strace s2  }
0x95: {  	s2 =	sld [smem:$0x3FFD];
	_ =	sdelay $0x3  }
0x96: {  	_ =	strace s2  }
0x97: {  	_ =	strace $0x8FFFFFFF  }
0x98: {  	s18 =	sld [smem:$0x3FDB];
	_ =	sdelay $0x1  }
0x99: {  	s19 =	simm.s32 $_scs_section_size  }
0x9a: {  	s4 =	simm.s32 $_size__tile_overlayer_lowered;
	s5 =	simm.s32 $_tile_overlayer_lowered  }
0x9b: {  	s22 =	simm.s32 $0x1BFF;
	s21 =	sshll.u32 s5, $0x1;
	s2 =	sadd.s32 s19, s18  }
0x9c: {  	s6 =	simm.s32 $0x0;
	s20 =	sshll.u32 s4, $0x1;
	s4 =	sadd.s32 s21, s2  }
0x9d: {  	[timem:s6], [sflag:s22] =	dma.local [hbm:s4], s20  }
0x9e: {  	_ =	swait.ge [sflag:s22], s20  }
0x9f: {  	s3 =	ssub.s32 $0x0, s20;
	[sflag:s22] =	ssyncset.done $0x0  }
0xa0: {  	[sflag:s22] =	ssyncadd.s32 s3;
	_ =	sdelay $0x1  }
0xa1: {  	s23 =	simm.s32 $0x1B8B  }
0xa2: {  	_ =	swait.ge [sflag:s23], $0x1  }
0xa3: {  	[sflag:s23] =	ssyncset.done $0x0  }
0xa4: {  	s25 =	simm.s32 $0x1B8E;
	s24 =	sld [smem:$0x3FFE];
	[sflag:s23] =	ssyncadd.s32 $0xFFFFFFFF  }
0xa5: {  	s26 =	simm.s32 $execute0_lowered;
	[smem:$0x3FD2] =	sst s25  }
0xa6: {  	s4 =	sshll.u32 s26, $0x1;
	_ =	strace $0x80000046;
	[dreg:$0x1] =	wrdreg $0xFFFFFFFF  }
0xa7: {  	s28 =	simm.s32 $_size_execute0_lowered;
	s2 =	sadd.s32 s2, s4;
	[dreg:$0x0] =	wrdreg $0x0  }
0xa8: {  	s4 =	sshll.u32 s28, $0x1;
	[dreg:$0x2] =	wrdreg s2  }
0xa9: {  	[dreg:$0x3] =	wrdreg s4  }
0xaa: {  	[dreg:$0x4] =	wrdreg $0xC0  }
0xab: {  	_ =	task [dreg:s6], $0x5FFFF  }
0xac: {  	[dreg:$0x1] =	wrdreg $0xFFFFFFFF  }
0xad: {  	[dreg:$0x0] =	wrdreg $0x60  }
0xae: {  	[dreg:$0x2] =	wrdreg s24  }
0xaf: {  	[dreg:$0x3] =	wrdreg $0x9  }
0xb0: {  	_ =	task.clear_ibuf [dreg:s6], $0x4FFFF;
	_ =	strace $0x90000046  }
0xb1: {  	s29 =	simm.s32 $0x9;
	_ =	strace $0x80000048  }
0xb2: {  	_ =	swait.ge [sflag:s29], $0x1  }
0xb3: {  	[sflag:s29] =	ssyncadd.s32 $0xFFFFFFFF  }
0xb4: {  	_ =	strace $0x90000048  }
0xb5: {  	_ =	sfence  }
0xb6: {  	s30 =	sld [smem:$0x0];
	_ =	sdelay $0x2  }
0xb7: {  	s31 =	sshll.u32 s1, $0xD;
	s1 =	sshrl.u32 s1, $0x2  }
0xb8: {  	s3 =	sand.u32 $0x4000, s31;
	s1 =	sadd.s32 s1, s30  }
0xb9: {  	s0 =	sor.u32 s3, s0;
	s1 =	sshll.u32 s1, $0x11  }
0xba: {  	s0 =	sor.u32 s1, s0  }
0xbb: {  	s0 =	sadd.s32 $0x8F2B, s0  }
0xbc: {  	[sflag:s0] =	ssyncadd.remote.s32 $0x1  }
0xbd: {  	_ =	sfence.sel $0xFFFF  }
0xbe: {  	[dreg:$0x0] =	wrdreg $0xFFFFFFFF;
	(pc) =	sbr.abs _section_cstart, $3  }
0xbf: {  	[dreg:$0x1] =	wrdreg $0xFFFFFFFF  }
0xc0: {  	_ =	task.clear_ibuf [dreg:s6], $0x2FFFF;
	_ =	strace $0x9FFFFFFF  }
0xc1: {  	(tm) =	ssettm $0x7FFFFFFF  }
tec
execute0_lowered:
.L_overlay_start_1:
0x0: {  	(tag) =	ssettag $0x1  }
0x1: {  	s6 =	rddreg [dreg:$0x0];
	s1 =	srdreg.scid  }
0x2: {  	s0 =	rddreg [dreg:$0x1];
	s19 =	stileid.u32  }
0x3: {  	s20 =	simm.s32 $0x2000;
	s21 =	simm.s32 $0x4000;
	s22 =	simm.s32 $0x6000  }
0x4: {  	s23 =	simm.s32 $0x8000;
	s24 =	simm.s32 $0xA000;
	s25 =	simm.s32 $0x1  }
0x5: {  	s26 =	simm.s32 $0x2;
	s28 =	simm.s32 $0x3;
	s29 =	simm.s32 $0x4  }
0x6: {  	s30 =	simm.s32 $0x5;
	s31 =	simm.s32 $0xC000;
	s5 =	sand.u32 $0x1, s1  }
0x7: {  	s1 =	simm.s32 $0x0;
	s3 =	sshll.u32 s19, $0xA;
	s4 =	sadd.s32 $0x31400, s6  }
0x8: {  	p0 =	sne.s32 s19, $0x0;
	s19 =	simm.s32 $0x6;
	s2 =	sshll.u32 s5, $0xE  }
0x9: {  	[smem:$0x7FF] =	sst s1;
	s7 =	ssub.s32 $0x2, s5;
	s9 =	smul.u32 $0xD00, s5  }
0xa: {  	s5 =	sadd.s32 $0x31800, s6;
	s2 =	sor.u32 s3, s2;
	_ =	strace $0x80000047  }
0xb: {  	s3 =	sadd.s32 $0x31000, s6;
	s8 =	sshrl.u32 s7, $0x1;
	s12 =	sadd.s32 s2, s6  }
0xc: {  	s2 =	sadd.s32 $0x30C00, s6;
	s6 =	sadd.s32 $0x31C00, s6;
	s18 =	ssub.s32 s7, s8  }
.Ltmp0:
0xd: {  	s11 =	sadd.s32 $0xBB8, s9;
	s7 =	sadd.s32 $0xC00, s12;
	(pc) =	sbr.rel .LBB2_1-.Ltmp0, $4  }
0xe: {  	s8 =	sadd.s32 $0x8C00, s12;
	s9 =	sadd.s32 $0x10C00, s12;
	s10 =	sadd.s32 $0x18C00, s12  }
0xf: {  	s17 =	sshrl.u32 s11, $0x3;
	s11 =	sadd.s32 $0x20C00, s12;
	s12 =	sadd.s32 $0x28C00, s12  }
0x10: {  	s18 =	smax.u32 s18, $0x1;
	s13 =	sadd.s32 s2, s17;
	s14 =	sadd.s32 s3, s17  }
0x11: {  	v0 =	vimm.f32 $-1.000000020e+30;
	v1 =	vimm.f32 $0.0e+00;
	s15 =	sadd.s32 s4, s17;
	s16 =	sadd.s32 s5, s17;
	s17 =	sadd.s32 s6, s17  }
.LBB2_3:
0x12: {  	s18 =	sadd.s32 $0xFFFFFFFF, s18  }
0x13: {  	p1 =	sne.s32 s18, $0x0  }
.Ltmp1:
0x14: {  	_ = 	snop;
	(pc) =	sbr.rel @!p1 .LBB2_4-.Ltmp1, $1  }
0x15: {  	_ =	sdelay $0x3  }
.LBB2_1:
0x16: {  	[tilespmem:s1], [sflag:$0x6] =	stream.linear.gather [hbm4b:s7+s1], $0x2000, $0x38;
	[tilespmem:$0xC180] =	vst v63  }
0x17: {  	_ =	swait.ge [sflag:s19], $0x2000  }
0x18: {  	[sflag:s19] =	ssyncset.done $0x0  }
0x19: {  	[sflag:s19] =	ssyncadd.s32 $0xFFFFE000  }
0x1a: {  	[tilespmem:s20], [sflag:$0x6] =	stream.linear.gather [hbm4b:s8+s1], $0x2000, $0x38;
	[tilespmem:$0xC180] =	vst v63  }
0x1b: {  	_ =	swait.ge [sflag:s19], $0x2000  }
0x1c: {  	[sflag:s19] =	ssyncset.done $0x0  }
0x1d: {  	[sflag:s19] =	ssyncadd.s32 $0xFFFFE000  }
0x1e: {  	[tilespmem:s21], [sflag:$0x6] =	stream.linear.gather [hbm4b:s9+s1], $0x2000, $0x38;
	[tilespmem:$0xC180] =	vst v63  }
0x1f: {  	_ =	swait.ge [sflag:s19], $0x2000  }
0x20: {  	[sflag:s19] =	ssyncset.done $0x0  }
0x21: {  	[sflag:s19] =	ssyncadd.s32 $0xFFFFE000  }
0x22: {  	[tilespmem:s22], [sflag:$0x6] =	stream.linear.gather [hbm4b:s10+s1], $0x2000, $0x38;
	[tilespmem:$0xC180] =	vst v63  }
0x23: {  	_ =	swait.ge [sflag:s19], $0x2000  }
0x24: {  	[sflag:s19] =	ssyncset.done $0x0  }
0x25: {  	[sflag:s19] =	ssyncadd.s32 $0xFFFFE000  }
0x26: {  	[tilespmem:s23], [sflag:$0x6] =	stream.linear.gather [hbm4b:s11+s1], $0x2000, $0x38;
	[tilespmem:$0xC180] =	vst v63  }
0x27: {  	_ =	swait.ge [sflag:s19], $0x2000  }
0x28: {  	[sflag:s19] =	ssyncset.done $0x0  }
0x29: {  	[sflag:s19] =	ssyncadd.s32 $0xFFFFE000  }
0x2a: {  	[tilespmem:s24], [sflag:$0x6] =	stream.linear.gather [hbm4b:s12+s1], $0x2000, $0x38;
	[tilespmem:$0xC180] =	vst v63  }
0x2b: {  	_ =	swait.ge [sflag:s19], $0x2000  }
0x2c: {  	[sflag:s19] =	ssyncset.done $0x0  }
0x2d: {  	[sflag:s19] =	ssyncadd.s32 $0xFFFFE000  }
0x2e: {  	[hbm4b:s2+s20] =	stream.indirect.scatter [tilespmem:s1], [sflag:$0x1], $0x1, s24, s20, $0xb8;
	[tilespmem:$0xC180] =	vst v63  }
0x2f: {  	_ = 	snop  }
0x30: {  	[hbm4b:s3+s20] =	stream.indirect.scatter [tilespmem:s20], [sflag:$0x2], $0x1, s24, s20, $0xb8;
	[tilespmem:$0xC180] =	vst v63  }
0x31: {  	_ = 	snop  }
0x32: {  	[hbm4b:s4+s20] =	stream.indirect.scatter [tilespmem:s21], [sflag:$0x3], $0x1, s24, s20, $0xb8;
	[tilespmem:$0xC180] =	vst v63  }
0x33: {  	_ = 	snop  }
0x34: {  	[hbm4b:s5+s20] =	stream.indirect.scatter [tilespmem:s22], [sflag:$0x4], $0x1, s24, s20, $0xb8;
	[tilespmem:$0xC180] =	vst v63  }
0x35: {  	_ = 	snop  }
0x36: {  	[hbm4b:s6+s20] =	stream.indirect.scatter [tilespmem:s23], [sflag:$0x5], $0x1, s24, s20, $0xb8;
	[tilespmem:$0xC180] =	vst v63  }
0x37: {  	_ =	swait.ge [sflag:s25], $0x2000  }
0x38: {  	[sflag:s25] =	ssyncset.done $0x0  }
0x39: {  	[sflag:s25] =	ssyncadd.s32 $0xFFFFE000  }
0x3a: {  	_ =	swait.ge [sflag:s26], $0x2000  }
0x3b: {  	[sflag:s26] =	ssyncset.done $0x0  }
0x3c: {  	[sflag:s26] =	ssyncadd.s32 $0xFFFFE000  }
0x3d: {  	_ =	swait.ge [sflag:s28], $0x2000  }
0x3e: {  	[sflag:s28] =	ssyncset.done $0x0  }
0x3f: {  	[sflag:s28] =	ssyncadd.s32 $0xFFFFE000  }
0x40: {  	_ =	swait.ge [sflag:s29], $0x2000  }
.Ltmp2:
0x41: {  	[sflag:s29] =	ssyncset.done $0x0;
	(pc) =	sbr.rel @p0 .LBB2_3-.Ltmp2, $4  }
0x42: {  	[sflag:s29] =	ssyncadd.s32 $0xFFFFE000  }
0x43: {  	_ =	swait.ge [sflag:s30], $0x2000  }
0x44: {  	[sflag:s30] =	ssyncset.done $0x0  }
0x45: {  	[sflag:s30] =	ssyncadd.s32 $0xFFFFE000  }
0x46: {  	[tilespmem:$0xC000] =	vst v0  }
0x47: {  	[tilespmem:$0xC010] =	vst v0  }
0x48: {  	[tilespmem:$0xC020] =	vst v0  }
0x49: {  	[tilespmem:$0xC030] =	vst v0  }
0x4a: {  	[tilespmem:$0xC040] =	vst v0  }
0x4b: {  	[tilespmem:$0xC050] =	vst v0  }
0x4c: {  	[tilespmem:$0xC060] =	vst v0  }
0x4d: {  	[tilespmem:$0xC070] =	vst v0  }
0x4e: {  	[tilespmem:$0xC080] =	vst v0  }
0x4f: {  	[tilespmem:$0xC090] =	vst v0  }
0x50: {  	[tilespmem:$0xC0A0] =	vst v0  }
0x51: {  	[tilespmem:$0xC0B0] =	vst v0  }
0x52: {  	[tilespmem:$0xC0C0] =	vst v0  }
0x53: {  	[tilespmem:$0xC0D0] =	vst v0  }
0x54: {  	[tilespmem:$0xC0E0] =	vst v0  }
0x55: {  	[tilespmem:$0xC0F0] =	vst v0  }
0x56: {  	[tilespmem:$0xC100] =	vst v0  }
0x57: {  	[tilespmem:$0xC110] =	vst v0  }
0x58: {  	[tilespmem:$0xC120] =	vst v0  }
0x59: {  	[tilespmem:$0xC130] =	vst v0  }
0x5a: {  	[hbm4b:s13+s1] =	stream.linear.scatter [tilespmem:s31], [sflag:$0x6], $0x148, $0x38;
	[tilespmem:$0xC180] =	vst v63  }
0x5b: {  	_ =	swait.ge [sflag:s19], $0x148  }
0x5c: {  	[sflag:s19] =	ssyncset.done $0x0  }
0x5d: {  	[sflag:s19] =	ssyncadd.s32 $0xFFFFFEB8  }
0x5e: {  	[tilespmem:$0xC000] =	vst v1  }
0x5f: {  	[tilespmem:$0xC010] =	vst v1  }
0x60: {  	[tilespmem:$0xC020] =	vst v1  }
0x61: {  	[tilespmem:$0xC030] =	vst v1  }
0x62: {  	[tilespmem:$0xC040] =	vst v1  }
0x63: {  	[tilespmem:$0xC050] =	vst v1  }
0x64: {  	[tilespmem:$0xC060] =	vst v1  }
0x65: {  	[tilespmem:$0xC070] =	vst v1  }
0x66: {  	[tilespmem:$0xC080] =	vst v1  }
0x67: {  	[tilespmem:$0xC090] =	vst v1  }
0x68: {  	[tilespmem:$0xC0A0] =	vst v1  }
0x69: {  	[tilespmem:$0xC0B0] =	vst v1  }
0x6a: {  	[tilespmem:$0xC0C0] =	vst v1  }
0x6b: {  	[tilespmem:$0xC0D0] =	vst v1  }
0x6c: {  	[tilespmem:$0xC0E0] =	vst v1  }
0x6d: {  	[tilespmem:$0xC0F0] =	vst v1  }
0x6e: {  	[tilespmem:$0xC100] =	vst v1  }
0x6f: {  	[tilespmem:$0xC110] =	vst v1  }
0x70: {  	[tilespmem:$0xC120] =	vst v1  }
0x71: {  	[tilespmem:$0xC130] =	vst v1  }
0x72: {  	[hbm4b:s14+s1] =	stream.linear.scatter [tilespmem:s31], [sflag:$0x6], $0x148, $0x38;
	[tilespmem:$0xC180] =	vst v63  }
0x73: {  	_ =	swait.ge [sflag:s19], $0x148  }
0x74: {  	[sflag:s19] =	ssyncset.done $0x0  }
0x75: {  	[sflag:s19] =	ssyncadd.s32 $0xFFFFFEB8  }
0x76: {  	[hbm4b:s15+s1] =	stream.linear.scatter [tilespmem:s31], [sflag:$0x6], $0x148, $0x38;
	[tilespmem:$0xC180] =	vst v63  }
0x77: {  	_ =	swait.ge [sflag:s19], $0x148  }
0x78: {  	[sflag:s19] =	ssyncset.done $0x0  }
0x79: {  	[sflag:s19] =	ssyncadd.s32 $0xFFFFFEB8  }
0x7a: {  	[hbm4b:s16+s1] =	stream.linear.scatter [tilespmem:s31], [sflag:$0x6], $0x148, $0x38;
	[tilespmem:$0xC180] =	vst v63  }
0x7b: {  	_ =	swait.ge [sflag:s19], $0x148  }
0x7c: {  	[sflag:s19] =	ssyncset.done $0x0  }
.Ltmp3:
0x7d: {  	[sflag:s19] =	ssyncadd.s32 $0xFFFFFEB8;
	(pc) =	sbr.rel .LBB2_3-.Ltmp3, $4  }
0x7e: {  	[hbm4b:s17+s1] =	stream.linear.scatter [tilespmem:s31], [sflag:$0x6], $0x148, $0x38;
	[tilespmem:$0xC180] =	vst v63  }
0x7f: {  	_ =	swait.ge [sflag:s19], $0x148  }
0x80: {  	[sflag:s19] =	ssyncset.done $0x0  }
0x81: {  	[sflag:s19] =	ssyncadd.s32 $0xFFFFFEB8  }
.LBB2_4:
0x82: {  	_ =	sfence.sel $0x180000  }
0x83: {  	[bflag:$0x0] =	sbarrier.arrive $0xFFFF  }
0x84: {  	_ =	strace $0x90000047  }
0x85: {  	s0 =	sadd.s32 @!p0 $0x100000, s0;
	[bflag:$0x2] =	sbarrier.arrive $0xFFFF  }
0x86: {  	[sflag:s0] =	ssyncadd.tile.s32 @!p0 $0x1;
	_ =	shalt  }
.Lfunc_end2:
_tile_overlayer_lowered:
.L_overlay_start_2:
0x87: {  	(tag) =	ssettag $0x2  }
0x88: {  	s0 =	rddreg [dreg:$0x0];
	s2 =	stileid.u32  }
0x89: {  	s1 =	rddreg [dreg:$0x1];
	p0 =	sne.s32 s2, $0x0  }
0x8a: {  	s3 =	rddreg [dreg:$0x2];
	[bflag:$0x3] =	sbarrier.arrive $0xFFFF;
	s2 =	simm.s32 @!p0 $0x1C06  }
0x8b: {  	[timem:s3], [sflag:s2] =	dma.local @!p0 [hbm:s0], s1  }
0x8c: {  	s0 =	simm.s32 @!p0 $0x6  }
0x8d: {  	_ =	swait.ge @!p0 [sflag:s0], s1  }
0x8e: {  	s1 =	ssub.s32 @!p0 $0x0, s1;
	[sflag:s0] =	ssyncset.done @!p0 $0x0  }
0x8f: {  	[sflag:s0] =	ssyncadd.s32 @!p0 s1  }
0x90: {  	[bflag:$0x3] =	sbarrier.arrive $0xFFFF  }
0x91: {  	_ =	shalt  }

</sc_bundles>
